<compile_context>
chip_gen: v7x
topology: tpu7x:2x2x1
jax: 0.10.2.dev20260603
libtpu: 0.0.44.dev20260713+nightly
codegen_flags: <defaults>
</compile_context>

<pallas_src>
import functools

import jax
import jax.numpy as jnp
from jax import lax
from jax.experimental import pallas as pl
from jax.experimental.pallas import tpu as pltpu
from jax.experimental.pallas import tpu_sc as plsc

VOCAB = 100000
HID = 128
SEQ = 200
BATCH = 1024

NUM_CORES = 2
NUM_SUBCORES = 16
NW = NUM_CORES * NUM_SUBCORES
NROWS = SEQ * BATCH
ROWS_PER_W = NROWS // NW
GROUP = 128
GROUPS_PER_W = ROWS_PER_W // GROUP
NBUF = 5
NROUNDS = GROUPS_PER_W // NBUF

_mesh = plsc.VectorSubcoreMesh(
    core_axis_name="c", subcore_axis_name="s",
    num_cores=NUM_CORES, num_subcores=NUM_SUBCORES,
)


@functools.partial(
    pl.kernel,
    out_type=jax.ShapeDtypeStruct((NROWS, HID), jnp.float32),
    mesh=_mesh,
    scratch_types=[
        pltpu.VMEM((GROUPS_PER_W, GROUP), jnp.int32),
        pltpu.VMEM((NBUF, GROUP, HID), jnp.float32),
        pltpu.SemaphoreType.DMA((NBUF,)),
        pltpu.SemaphoreType.DMA((NBUF,)),
    ],
)
def _gather_kernel(table_hbm, idx_hbm, out_hbm, idx_v, rows_v, gsem, ssem):
    wid = lax.axis_index("s") * NUM_CORES + lax.axis_index("c")
    grp_base = wid * GROUPS_PER_W
    pltpu.sync_copy(idx_hbm.at[wid], idx_v)

    LEAD = 2

    for b in range(LEAD):
        pltpu.async_copy(table_hbm.at[idx_v.at[b]], rows_v.at[b], gsem.at[b])

    def body(i, carry):
        for b in range(NBUF):
            g = i * NBUF + b
            sg = (b + LEAD) % NBUF

            @pl.when(jnp.logical_and(g >= NBUF - LEAD,
                                     g + LEAD < GROUPS_PER_W))
            def _():
                prev_off = (grp_base + g - (NBUF - LEAD)) * GROUP
                pltpu.make_async_copy(
                    rows_v.at[sg],
                    out_hbm.at[pl.ds(prev_off, GROUP)],
                    ssem.at[sg],
                ).wait()

            @pl.when(g + LEAD < GROUPS_PER_W)
            def _():
                pltpu.async_copy(
                    table_hbm.at[idx_v.at[g + LEAD]], rows_v.at[sg],
                    gsem.at[sg],
                )

            pltpu.make_async_copy(
                table_hbm.at[idx_v.at[b]], rows_v.at[b], gsem.at[b]
            ).wait()
            row_off = (grp_base + g) * GROUP
            pltpu.async_copy(
                rows_v.at[b], out_hbm.at[pl.ds(row_off, GROUP)], ssem.at[b]
            )

        return carry

    lax.fori_loop(0, NROUNDS, body, 0)

    for gg in range(GROUPS_PER_W - NBUF, GROUPS_PER_W):
        b = gg % NBUF
        row_off = (grp_base + gg) * GROUP
        pltpu.make_async_copy(
            rows_v.at[b], out_hbm.at[pl.ds(row_off, GROUP)], ssem.at[b]
        ).wait()


def kernel(node_embeddings, src_rids):
    idx = jnp.transpose(src_rids, (1, 0, 2)).reshape(NW, GROUPS_PER_W, GROUP)
    out = _gather_kernel(node_embeddings, idx)
    return out.reshape(BATCH, SEQ, HID)

# --- scband reference (transcript-rebuilt; emitter-appended) ---
"""Pipeline reference for scband-get-graph-emb-6786048328634 (READ-ONLY COPY).

The authoritative reference and input builder live on the scoring server;
editing this copy changes nothing except your own understanding.
"""

import jax, jax.numpy as jnp
import numpy as np

VOCAB = 100000
HID = 128
SEQ = 200
BATCH = 1024


def setup_inputs(seed: int = 0) -> dict:
    key = jax.random.key(seed)
    k1, k2 = jax.random.split(key)
    node_embeddings = jax.random.normal(k1, (VOCAB, HID), dtype=jnp.float32)
    src_rids = jax.random.randint(k2, (SEQ, BATCH, 1), 0, VOCAB, dtype=jnp.int32)
    return {"node_embeddings": node_embeddings, "src_rids": src_rids}


def reference(node_embeddings, src_rids):
    # src_rids: [seq, batch, 1] -> permute(1,0,2) -> [batch, seq, 1] -> squeeze -> [batch, seq]
    s = jnp.squeeze(jnp.transpose(src_rids, (1, 0, 2)), axis=-1)
    # per-batch index_select over embedding table == batched gather
    cons_emb = jnp.take(node_embeddings, s, axis=0)  # [batch, seq, hid]
    return cons_emb

if __name__ == "__main__":
    import jax
    _d = setup_inputs()
    print(jax.jit(kernel)(*tuple(_d.values())))

</pallas_src>

<mosaic_0001>
#map = affine_map<(d0, d1) -> (0, 0)>
#map1 = affine_map<(d0, d1) -> (0, 0, 0)>
module attributes {stable_mosaic.version = 14 : i64} {
  func.func @_gather_kernel(%arg0: i32, %arg1: i32, %arg2: memref<100000x128xf32, #tpu.memory_space<hbm>>, %arg3: memref<32x50x128xi32, #tpu.memory_space<hbm>>, %arg4: memref<204800x128xf32, #tpu.memory_space<hbm>>, %arg5: memref<50x128xi32, #tpu.memory_space<vmem>>, %arg6: memref<5x128x128xf32, #tpu.memory_space<vmem>>, %arg7: memref<5x!tpu.dma_semaphore, #tpu.memory_space<semaphore_mem>>, %arg8: memref<5x!tpu.dma_semaphore, #tpu.memory_space<semaphore_mem>>) attributes {dimension_semantics = [#tpu.dimension_semantics<core_parallel>, #tpu.dimension_semantics<subcore_parallel>], iteration_bounds = array<i64: 2, 16>, scalar_prefetch = 0 : i64, scratch_operands = 4 : i64, tpu.core_type = #tpu.core_type<sc_vector_subcore>, window_params = [{transform_indices = #map}, {transform_indices = #map1}, {transform_indices = #map}]} {
    %mul3A = arith.constant 2 : i32
    %mul3A_0 = arith.muli %arg1, %mul3A : i32
    %add3A = arith.addi %mul3A_0, %arg0 : i32
    %mul3A_1 = arith.constant 50 : i32
    %mul3A_2 = arith.muli %add3A, %mul3A_1 : i32
    "tpu.region"() ({
      %run_scoped3A = tpu.sem_alloc : memref<!tpu.dma_semaphore, #tpu.memory_space<semaphore_mem>>
      %dma_start3A_136 = arith.constant 0 : i32
      %dma_start3A_137 = arith.constant 0 : i32
      %dma_start3A_138 = tpu.memref_slice %arg3[%add3A, %dma_start3A_136, %dma_start3A_137] : memref<32x50x128xi32, #tpu.memory_space<hbm>> -> memref<1x50x128xi32, #tpu.memory_space<hbm>>
      %dma_start3A_139 = tpu.memref_squeeze %dma_start3A_138 : memref<1x50x128xi32, #tpu.memory_space<hbm>> -> memref<50x128xi32, #tpu.memory_space<hbm>>
      %dma_start3A_140 = arith.constant 0 : i32
      %dma_start3A_141 = arith.constant 0 : i32
      %dma_start3A_142 = tpu.memref_slice %arg3[%add3A, %dma_start3A_140, %dma_start3A_141] : memref<32x50x128xi32, #tpu.memory_space<hbm>> -> memref<1x50x128xi32, #tpu.memory_space<hbm>>
      %dma_start3A_143 = tpu.memref_squeeze %dma_start3A_142 : memref<1x50x128xi32, #tpu.memory_space<hbm>> -> memref<50x128xi32, #tpu.memory_space<hbm>>
      tpu.enqueue_dma source(%dma_start3A_143 : memref<50x128xi32, #tpu.memory_space<hbm>>) target(%arg5 : memref<50x128xi32, #tpu.memory_space<vmem>>) target_semaphore(%run_scoped3A : memref<!tpu.dma_semaphore, #tpu.memory_space<semaphore_mem>>)
      %dma_wait3A_144 = arith.constant 0 : i32
      %dma_wait3A_145 = arith.constant 0 : i32
      %dma_wait3A_146 = tpu.memref_slice %arg3[%add3A, %dma_wait3A_144, %dma_wait3A_145] : memref<32x50x128xi32, #tpu.memory_space<hbm>> -> memref<1x50x128xi32, #tpu.memory_space<hbm>>
      %dma_wait3A_147 = tpu.memref_squeeze %dma_wait3A_146 : memref<1x50x128xi32, #tpu.memory_space<hbm>> -> memref<50x128xi32, #tpu.memory_space<hbm>>
      %dma_wait3A_148 = arith.constant 0 : i32
      %dma_wait3A_149 = arith.constant 0 : i32
      %dma_wait3A_150 = tpu.memref_slice %arg3[%add3A, %dma_wait3A_148, %dma_wait3A_149] : memref<32x50x128xi32, #tpu.memory_space<hbm>> -> memref<1x50x128xi32, #tpu.memory_space<hbm>>
      %dma_wait3A_151 = tpu.memref_squeeze %dma_wait3A_150 : memref<1x50x128xi32, #tpu.memory_space<hbm>> -> memref<50x128xi32, #tpu.memory_space<hbm>>
      tpu.wait_dma2 semaphore(%run_scoped3A : memref<!tpu.dma_semaphore, #tpu.memory_space<semaphore_mem>>) src(%dma_wait3A_151 : memref<50x128xi32, #tpu.memory_space<hbm>>) dst(%arg5 : memref<50x128xi32, #tpu.memory_space<vmem>>)
      tpu.yield
    }) : () -> ()
    %dma_start3A = arith.constant 0 : i32
    %dma_start3A_3 = arith.constant 0 : i32
    %dma_start3A_4 = arith.constant 0 : i32
    %dma_start3A_5 = arith.constant 0 : i32
    %dma_start3A_6 = arith.constant 0 : i32
    %dma_start3A_7 = tpu.memref_slice %arg6[%dma_start3A_3, %dma_start3A_5, %dma_start3A_6] : memref<5x128x128xf32, #tpu.memory_space<vmem>> -> memref<1x128x128xf32, #tpu.memory_space<vmem>>
    %dma_start3A_8 = tpu.memref_squeeze %dma_start3A_7 : memref<1x128x128xf32, #tpu.memory_space<vmem>> -> memref<128x128xf32, #tpu.memory_space<vmem>>
    %dma_start3A_9 = arith.constant 0 : i32
    %dma_start3A_10 = tpu.memref_slice %arg5[%dma_start3A, %dma_start3A_9] : memref<50x128xi32, #tpu.memory_space<vmem>> -> memref<1x128xi32, #tpu.memory_space<vmem>>
    %dma_start3A_11 = tpu.memref_squeeze %dma_start3A_10 : memref<1x128xi32, #tpu.memory_space<vmem>> -> memref<128xi32, #tpu.memory_space<vmem>>
    %dma_start3A_12 = arith.constant 0 : i32
    %dma_start3A_13 = arith.constant 0 : i32
    %dma_start3A_14 = tpu.memref_slice %arg2[%dma_start3A_12, %dma_start3A_13] : memref<100000x128xf32, #tpu.memory_space<hbm>> -> memref<100000x128xf32, #tpu.memory_space<hbm>>
    %dma_start3A_15 = tpu.memref_slice %arg7[%dma_start3A_4] : memref<5x!tpu.dma_semaphore, #tpu.memory_space<semaphore_mem>> -> memref<1x!tpu.dma_semaphore, #tpu.memory_space<semaphore_mem>>
    %dma_start3A_16 = tpu.memref_squeeze %dma_start3A_15 : memref<1x!tpu.dma_semaphore, #tpu.memory_space<semaphore_mem>> -> memref<!tpu.dma_semaphore, #tpu.memory_space<semaphore_mem>>
    tpu.enqueue_indirect_dma source(%dma_start3A_14 : memref<100000x128xf32, #tpu.memory_space<hbm>>) target(%dma_start3A_8 : memref<128x128xf32, #tpu.memory_space<vmem>>) offsets(%dma_start3A_11 : memref<128xi32, #tpu.memory_space<vmem>>) semaphore(%dma_start3A_16 : memref<!tpu.dma_semaphore, #tpu.memory_space<semaphore_mem>>)
    %dma_start3A_17 = arith.constant 1 : i32
    %dma_start3A_18 = arith.constant 1 : i32
    %dma_start3A_19 = arith.constant 1 : i32
    %dma_start3A_20 = arith.constant 0 : i32
    %dma_start3A_21 = arith.constant 0 : i32
    %dma_start3A_22 = tpu.memref_slice %arg6[%dma_start3A_18, %dma_start3A_20, %dma_start3A_21] : memref<5x128x128xf32, #tpu.memory_space<vmem>> -> memref<1x128x128xf32, #tpu.memory_space<vmem>>
    %dma_start3A_23 = tpu.memref_squeeze %dma_start3A_22 : memref<1x128x128xf32, #tpu.memory_space<vmem>> -> memref<128x128xf32, #tpu.memory_space<vmem>>
    %dma_start3A_24 = arith.constant 0 : i32
    %dma_start3A_25 = tpu.memref_slice %arg5[%dma_start3A_17, %dma_start3A_24] : memref<50x128xi32, #tpu.memory_space<vmem>> -> memref<1x128xi32, #tpu.memory_space<vmem>>
    %dma_start3A_26 = tpu.memref_squeeze %dma_start3A_25 : memref<1x128xi32, #tpu.memory_space<vmem>> -> memref<128xi32, #tpu.memory_space<vmem>>
    %dma_start3A_27 = arith.constant 0 : i32
    %dma_start3A_28 = arith.constant 0 : i32
    %dma_start3A_29 = tpu.memref_slice %arg2[%dma_start3A_27, %dma_start3A_28] : memref<100000x128xf32, #tpu.memory_space<hbm>> -> memref<100000x128xf32, #tpu.memory_space<hbm>>
    %dma_start3A_30 = tpu.memref_slice %arg7[%dma_start3A_19] : memref<5x!tpu.dma_semaphore, #tpu.memory_space<semaphore_mem>> -> memref<1x!tpu.dma_semaphore, #tpu.memory_space<semaphore_mem>>
    %dma_start3A_31 = tpu.memref_squeeze %dma_start3A_30 : memref<1x!tpu.dma_semaphore, #tpu.memory_space<semaphore_mem>> -> memref<!tpu.dma_semaphore, #tpu.memory_space<semaphore_mem>>
    tpu.enqueue_indirect_dma source(%dma_start3A_29 : memref<100000x128xf32, #tpu.memory_space<hbm>>) target(%dma_start3A_23 : memref<128x128xf32, #tpu.memory_space<vmem>>) offsets(%dma_start3A_26 : memref<128xi32, #tpu.memory_space<vmem>>) semaphore(%dma_start3A_31 : memref<!tpu.dma_semaphore, #tpu.memory_space<semaphore_mem>>)
    %scan3A = arith.constant 0 : i32
    %scan3A_32 = arith.constant 0 : i32
    %scan3A_33 = arith.constant 10 : i32
    %scan3A_34 = arith.addi %scan3A_32, %scan3A_33 : i32
    %scan3A_35 = arith.constant 1 : i32
    scf.for %scan3A_136 = %scan3A_32 to %scan3A_34 step %scan3A_35  : i32 {
      %mul3A_137 = arith.constant 5 : i32
      %mul3A_138 = arith.muli %scan3A_136, %mul3A_137 : i32
      %add3A_139 = arith.constant 0 : i32
      %add3A_140 = arith.addi %mul3A_138, %add3A_139 : i32
      %ge3A = arith.constant 3 : i32
      %ge3A_141 = arith.cmpi sge, %add3A_140, %ge3A : i32
      %add3A_142 = arith.constant 2 : i32
      %add3A_143 = arith.addi %add3A_140, %add3A_142 : i32
      %lt3A = arith.constant 50 : i32
      %lt3A_144 = arith.cmpi slt, %add3A_143, %lt3A : i32
      %and3A = arith.andi %ge3A_141, %lt3A_144 : i1
      %convert_element_type3A = arith.extui %and3A : i1 to i32
      %cond3A = arith.constant 0 : i32
      %cond3A_145 = arith.cmpi ne, %convert_element_type3A, %cond3A : i32
      scf.if %cond3A_145 {
        %add3A_407 = arith.addi %mul3A_2, %add3A_140 : i32
        %sub3A = arith.constant 3 : i32
        %sub3A_408 = arith.subi %add3A_407, %sub3A : i32
        %mul3A_409 = arith.constant 128 : i32
        %mul3A_410 = arith.muli %sub3A_408, %mul3A_409 : i32
        %dma_wait3A_411 = arith.constant 2 : i32
        %dma_wait3A_412 = arith.constant 2 : i32
        %dma_wait3A_413 = arith.constant 0 : i32
        %dma_wait3A_414 = arith.constant 0 : i32
        %dma_wait3A_415 = tpu.memref_slice %arg6[%dma_wait3A_411, %dma_wait3A_413, %dma_wait3A_414] : memref<5x128x128xf32, #tpu.memory_space<vmem>> -> memref<1x128x128xf32, #tpu.memory_space<vmem>>
        %dma_wait3A_416 = tpu.memref_squeeze %dma_wait3A_415 : memref<1x128x128xf32, #tpu.memory_space<vmem>> -> memref<128x128xf32, #tpu.memory_space<vmem>>
        %dma_wait3A_417 = arith.constant 0 : i32
        %dma_wait3A_418 = tpu.memref_slice %arg4[%mul3A_410, %dma_wait3A_417] : memref<204800x128xf32, #tpu.memory_space<hbm>> -> memref<128x128xf32, #tpu.memory_space<hbm>>
        %dma_wait3A_419 = tpu.memref_slice %arg8[%dma_wait3A_412] : memref<5x!tpu.dma_semaphore, #tpu.memory_space<semaphore_mem>> -> memref<1x!tpu.dma_semaphore, #tpu.memory_space<semaphore_mem>>
        %dma_wait3A_420 = tpu.memref_squeeze %dma_wait3A_419 : memref<1x!tpu.dma_semaphore, #tpu.memory_space<semaphore_mem>> -> memref<!tpu.dma_semaphore, #tpu.memory_space<semaphore_mem>>
        %dma_wait3A_421 = arith.constant 0 : i32
        %dma_wait3A_422 = tpu.memref_slice %arg4[%mul3A_410, %dma_wait3A_421] : memref<204800x128xf32, #tpu.memory_space<hbm>> -> memref<128x128xf32, #tpu.memory_space<hbm>>
        %dma_wait3A_423 = arith.constant 0 : i32
        %dma_wait3A_424 = arith.constant 0 : i32
        %dma_wait3A_425 = tpu.memref_slice %arg6[%dma_wait3A_411, %dma_wait3A_423, %dma_wait3A_424] : memref<5x128x128xf32, #tpu.memory_space<vmem>> -> memref<1x128x128xf32, #tpu.memory_space<vmem>>
        %dma_wait3A_426 = tpu.memref_squeeze %dma_wait3A_425 : memref<1x128x128xf32, #tpu.memory_space<vmem>> -> memref<128x128xf32, #tpu.memory_space<vmem>>
        tpu.wait_dma2 semaphore(%dma_wait3A_420 : memref<!tpu.dma_semaphore, #tpu.memory_space<semaphore_mem>>) src(%dma_wait3A_426 : memref<128x128xf32, #tpu.memory_space<vmem>>) dst(%dma_wait3A_422 : memref<128x128xf32, #tpu.memory_space<hbm>>)
      } else {
      }
      %add3A_146 = arith.constant 2 : i32
      %add3A_147 = arith.addi %add3A_140, %add3A_146 : i32
      %lt3A_148 = arith.constant 50 : i32
      %lt3A_149 = arith.cmpi slt, %add3A_147, %lt3A_148 : i32
      %convert_element_type3A_150 = arith.extui %lt3A_149 : i1 to i32
      %cond3A_151 = arith.constant 0 : i32
      %cond3A_152 = arith.cmpi ne, %convert_element_type3A_150, %cond3A_151 : i32
      scf.if %cond3A_152 {
        %add3A_407 = arith.constant 2 : i32
        %add3A_408 = arith.addi %add3A_140, %add3A_407 : i32
        %dma_start3A_409 = arith.constant 2 : i32
        %dma_start3A_410 = arith.constant 2 : i32
        %dma_start3A_411 = arith.constant 0 : i32
        %dma_start3A_412 = arith.constant 0 : i32
        %dma_start3A_413 = tpu.memref_slice %arg6[%dma_start3A_409, %dma_start3A_411, %dma_start3A_412] : memref<5x128x128xf32, #tpu.memory_space<vmem>> -> memref<1x128x128xf32, #tpu.memory_space<vmem>>
        %dma_start3A_414 = tpu.memref_squeeze %dma_start3A_413 : memref<1x128x128xf32, #tpu.memory_space<vmem>> -> memref<128x128xf32, #tpu.memory_space<vmem>>
        %dma_start3A_415 = arith.constant 0 : i32
        %dma_start3A_416 = tpu.memref_slice %arg5[%add3A_408, %dma_start3A_415] : memref<50x128xi32, #tpu.memory_space<vmem>> -> memref<1x128xi32, #tpu.memory_space<vmem>>
        %dma_start3A_417 = tpu.memref_squeeze %dma_start3A_416 : memref<1x128xi32, #tpu.memory_space<vmem>> -> memref<128xi32, #tpu.memory_space<vmem>>
        %dma_start3A_418 = arith.constant 0 : i32
        %dma_start3A_419 = arith.constant 0 : i32
        %dma_start3A_420 = tpu.memref_slice %arg2[%dma_start3A_418, %dma_start3A_419] : memref<100000x128xf32, #tpu.memory_space<hbm>> -> memref<100000x128xf32, #tpu.memory_space<hbm>>
        %dma_start3A_421 = tpu.memref_slice %arg7[%dma_start3A_410] : memref<5x!tpu.dma_semaphore, #tpu.memory_space<semaphore_mem>> -> memref<1x!tpu.dma_semaphore, #tpu.memory_space<semaphore_mem>>
        %dma_start3A_422 = tpu.memref_squeeze %dma_start3A_421 : memref<1x!tpu.dma_semaphore, #tpu.memory_space<semaphore_mem>> -> memref<!tpu.dma_semaphore, #tpu.memory_space<semaphore_mem>>
        tpu.enqueue_indirect_dma source(%dma_start3A_420 : memref<100000x128xf32, #tpu.memory_space<hbm>>) target(%dma_start3A_414 : memref<128x128xf32, #tpu.memory_space<vmem>>) offsets(%dma_start3A_417 : memref<128xi32, #tpu.memory_space<vmem>>) semaphore(%dma_start3A_422 : memref<!tpu.dma_semaphore, #tpu.memory_space<semaphore_mem>>)
      } else {
      }
      %dma_wait3A_153 = arith.constant 0 : i32
      %dma_wait3A_154 = arith.constant 0 : i32
      %dma_wait3A_155 = arith.constant 0 : i32
      %dma_wait3A_156 = arith.constant 0 : i32
      %dma_wait3A_157 = arith.constant 0 : i32
      %dma_wait3A_158 = tpu.memref_slice %arg6[%dma_wait3A_154, %dma_wait3A_156, %dma_wait3A_157] : memref<5x128x128xf32, #tpu.memory_space<vmem>> -> memref<1x128x128xf32, #tpu.memory_space<vmem>>
      %dma_wait3A_159 = tpu.memref_squeeze %dma_wait3A_158 : memref<1x128x128xf32, #tpu.memory_space<vmem>> -> memref<128x128xf32, #tpu.memory_space<vmem>>
      %dma_wait3A_160 = arith.constant 0 : i32
      %dma_wait3A_161 = tpu.memref_slice %arg5[%dma_wait3A_153, %dma_wait3A_160] : memref<50x128xi32, #tpu.memory_space<vmem>> -> memref<1x128xi32, #tpu.memory_space<vmem>>
      %dma_wait3A_162 = tpu.memref_squeeze %dma_wait3A_161 : memref<1x128xi32, #tpu.memory_space<vmem>> -> memref<128xi32, #tpu.memory_space<vmem>>
      %dma_wait3A_163 = arith.constant 0 : i32
      %dma_wait3A_164 = arith.constant 0 : i32
      %dma_wait3A_165 = tpu.memref_slice %arg2[%dma_wait3A_163, %dma_wait3A_164] : memref<100000x128xf32, #tpu.memory_space<hbm>> -> memref<100000x128xf32, #tpu.memory_space<hbm>>
      %dma_wait3A_166 = tpu.memref_slice %arg7[%dma_wait3A_155] : memref<5x!tpu.dma_semaphore, #tpu.memory_space<semaphore_mem>> -> memref<1x!tpu.dma_semaphore, #tpu.memory_space<semaphore_mem>>
      %dma_wait3A_167 = tpu.memref_squeeze %dma_wait3A_166 : memref<1x!tpu.dma_semaphore, #tpu.memory_space<semaphore_mem>> -> memref<!tpu.dma_semaphore, #tpu.memory_space<semaphore_mem>>
      tpu.wait_indirect_dma semaphore(%dma_wait3A_167 : memref<!tpu.dma_semaphore, #tpu.memory_space<semaphore_mem>>) src(%dma_wait3A_165 : memref<100000x128xf32, #tpu.memory_space<hbm>>) dst(%dma_wait3A_159 : memref<128x128xf32, #tpu.memory_space<vmem>>)
      %add3A_168 = arith.addi %mul3A_2, %add3A_140 : i32
      %mul3A_169 = arith.constant 128 : i32
      %mul3A_170 = arith.muli %add3A_168, %mul3A_169 : i32
      %dma_start3A_171 = arith.constant 0 : i32
      %dma_start3A_172 = arith.constant 0 : i32
      %dma_start3A_173 = arith.constant 0 : i32
      %dma_start3A_174 = arith.constant 0 : i32
      %dma_start3A_175 = tpu.memref_slice %arg6[%dma_start3A_171, %dma_start3A_173, %dma_start3A_174] : memref<5x128x128xf32, #tpu.memory_space<vmem>> -> memref<1x128x128xf32, #tpu.memory_space<vmem>>
      %dma_start3A_176 = tpu.memref_squeeze %dma_start3A_175 : memref<1x128x128xf32, #tpu.memory_space<vmem>> -> memref<128x128xf32, #tpu.memory_space<vmem>>
      %dma_start3A_177 = arith.constant 0 : i32
      %dma_start3A_178 = tpu.memref_slice %arg4[%mul3A_170, %dma_start3A_177] : memref<204800x128xf32, #tpu.memory_space<hbm>> -> memref<128x128xf32, #tpu.memory_space<hbm>>
      %dma_start3A_179 = tpu.memref_slice %arg8[%dma_start3A_172] : memref<5x!tpu.dma_semaphore, #tpu.memory_space<semaphore_mem>> -> memref<1x!tpu.dma_semaphore, #tpu.memory_space<semaphore_mem>>
      %dma_start3A_180 = tpu.memref_squeeze %dma_start3A_179 : memref<1x!tpu.dma_semaphore, #tpu.memory_space<semaphore_mem>> -> memref<!tpu.dma_semaphore, #tpu.memory_space<semaphore_mem>>
      %dma_start3A_181 = arith.constant 0 : i32
      %dma_start3A_182 = tpu.memref_slice %arg4[%mul3A_170, %dma_start3A_181] : memref<204800x128xf32, #tpu.memory_space<hbm>> -> memref<128x128xf32, #tpu.memory_space<hbm>>
      %dma_start3A_183 = arith.constant 0 : i32
      %dma_start3A_184 = arith.constant 0 : i32
      %dma_start3A_185 = tpu.memref_slice %arg6[%dma_start3A_171, %dma_start3A_183, %dma_start3A_184] : memref<5x128x128xf32, #tpu.memory_space<vmem>> -> memref<1x128x128xf32, #tpu.memory_space<vmem>>
      %dma_start3A_186 = tpu.memref_squeeze %dma_start3A_185 : memref<1x128x128xf32, #tpu.memory_space<vmem>> -> memref<128x128xf32, #tpu.memory_space<vmem>>
      tpu.enqueue_dma source(%dma_start3A_186 : memref<128x128xf32, #tpu.memory_space<vmem>>) target(%dma_start3A_182 : memref<128x128xf32, #tpu.memory_space<hbm>>) target_semaphore(%dma_start3A_180 : memref<!tpu.dma_semaphore, #tpu.memory_space<semaphore_mem>>)
      %mul3A_187 = arith.constant 5 : i32
      %mul3A_188 = arith.muli %scan3A_136, %mul3A_187 : i32
      %add3A_189 = arith.constant 1 : i32
      %add3A_190 = arith.addi %mul3A_188, %add3A_189 : i32
      %ge3A_191 = arith.constant 3 : i32
      %ge3A_192 = arith.cmpi sge, %add3A_190, %ge3A_191 : i32
      %add3A_193 = arith.constant 2 : i32
      %add3A_194 = arith.addi %add3A_190, %add3A_193 : i32
      %lt3A_195 = arith.constant 50 : i32
      %lt3A_196 = arith.cmpi slt, %add3A_194, %lt3A_195 : i32
      %and3A_197 = arith.andi %ge3A_192, %lt3A_196 : i1
      %convert_element_type3A_198 = arith.extui %and3A_197 : i1 to i32
      %cond3A_199 = arith.constant 0 : i32
      %cond3A_200 = arith.cmpi ne, %convert_element_type3A_198, %cond3A_199 : i32
      scf.if %cond3A_200 {
        %add3A_407 = arith.addi %mul3A_2, %add3A_190 : i32
        %sub3A = arith.constant 3 : i32
        %sub3A_408 = arith.subi %add3A_407, %sub3A : i32
        %mul3A_409 = arith.constant 128 : i32
        %mul3A_410 = arith.muli %sub3A_408, %mul3A_409 : i32
        %dma_wait3A_411 = arith.constant 3 : i32
        %dma_wait3A_412 = arith.constant 3 : i32
        %dma_wait3A_413 = arith.constant 0 : i32
        %dma_wait3A_414 = arith.constant 0 : i32
        %dma_wait3A_415 = tpu.memref_slice %arg6[%dma_wait3A_411, %dma_wait3A_413, %dma_wait3A_414] : memref<5x128x128xf32, #tpu.memory_space<vmem>> -> memref<1x128x128xf32, #tpu.memory_space<vmem>>
        %dma_wait3A_416 = tpu.memref_squeeze %dma_wait3A_415 : memref<1x128x128xf32, #tpu.memory_space<vmem>> -> memref<128x128xf32, #tpu.memory_space<vmem>>
        %dma_wait3A_417 = arith.constant 0 : i32
        %dma_wait3A_418 = tpu.memref_slice %arg4[%mul3A_410, %dma_wait3A_417] : memref<204800x128xf32, #tpu.memory_space<hbm>> -> memref<128x128xf32, #tpu.memory_space<hbm>>
        %dma_wait3A_419 = tpu.memref_slice %arg8[%dma_wait3A_412] : memref<5x!tpu.dma_semaphore, #tpu.memory_space<semaphore_mem>> -> memref<1x!tpu.dma_semaphore, #tpu.memory_space<semaphore_mem>>
        %dma_wait3A_420 = tpu.memref_squeeze %dma_wait3A_419 : memref<1x!tpu.dma_semaphore, #tpu.memory_space<semaphore_mem>> -> memref<!tpu.dma_semaphore, #tpu.memory_space<semaphore_mem>>
        %dma_wait3A_421 = arith.constant 0 : i32
        %dma_wait3A_422 = tpu.memref_slice %arg4[%mul3A_410, %dma_wait3A_421] : memref<204800x128xf32, #tpu.memory_space<hbm>> -> memref<128x128xf32, #tpu.memory_space<hbm>>
        %dma_wait3A_423 = arith.constant 0 : i32
        %dma_wait3A_424 = arith.constant 0 : i32
        %dma_wait3A_425 = tpu.memref_slice %arg6[%dma_wait3A_411, %dma_wait3A_423, %dma_wait3A_424] : memref<5x128x128xf32, #tpu.memory_space<vmem>> -> memref<1x128x128xf32, #tpu.memory_space<vmem>>
        %dma_wait3A_426 = tpu.memref_squeeze %dma_wait3A_425 : memref<1x128x128xf32, #tpu.memory_space<vmem>> -> memref<128x128xf32, #tpu.memory_space<vmem>>
        tpu.wait_dma2 semaphore(%dma_wait3A_420 : memref<!tpu.dma_semaphore, #tpu.memory_space<semaphore_mem>>) src(%dma_wait3A_426 : memref<128x128xf32, #tpu.memory_space<vmem>>) dst(%dma_wait3A_422 : memref<128x128xf32, #tpu.memory_space<hbm>>)
      } else {
      }
      %add3A_201 = arith.constant 2 : i32
      %add3A_202 = arith.addi %add3A_190, %add3A_201 : i32
      %lt3A_203 = arith.constant 50 : i32
      %lt3A_204 = arith.cmpi slt, %add3A_202, %lt3A_203 : i32
      %convert_element_type3A_205 = arith.extui %lt3A_204 : i1 to i32
      %cond3A_206 = arith.constant 0 : i32
      %cond3A_207 = arith.cmpi ne, %convert_element_type3A_205, %cond3A_206 : i32
      scf.if %cond3A_207 {
        %add3A_407 = arith.constant 2 : i32
        %add3A_408 = arith.addi %add3A_190, %add3A_407 : i32
        %dma_start3A_409 = arith.constant 3 : i32
        %dma_start3A_410 = arith.constant 3 : i32
        %dma_start3A_411 = arith.constant 0 : i32
        %dma_start3A_412 = arith.constant 0 : i32
        %dma_start3A_413 = tpu.memref_slice %arg6[%dma_start3A_409, %dma_start3A_411, %dma_start3A_412] : memref<5x128x128xf32, #tpu.memory_space<vmem>> -> memref<1x128x128xf32, #tpu.memory_space<vmem>>
        %dma_start3A_414 = tpu.memref_squeeze %dma_start3A_413 : memref<1x128x128xf32, #tpu.memory_space<vmem>> -> memref<128x128xf32, #tpu.memory_space<vmem>>
        %dma_start3A_415 = arith.constant 0 : i32
        %dma_start3A_416 = tpu.memref_slice %arg5[%add3A_408, %dma_start3A_415] : memref<50x128xi32, #tpu.memory_space<vmem>> -> memref<1x128xi32, #tpu.memory_space<vmem>>
        %dma_start3A_417 = tpu.memref_squeeze %dma_start3A_416 : memref<1x128xi32, #tpu.memory_space<vmem>> -> memref<128xi32, #tpu.memory_space<vmem>>
        %dma_start3A_418 = arith.constant 0 : i32
        %dma_start3A_419 = arith.constant 0 : i32
        %dma_start3A_420 = tpu.memref_slice %arg2[%dma_start3A_418, %dma_start3A_419] : memref<100000x128xf32, #tpu.memory_space<hbm>> -> memref<100000x128xf32, #tpu.memory_space<hbm>>
        %dma_start3A_421 = tpu.memref_slice %arg7[%dma_start3A_410] : memref<5x!tpu.dma_semaphore, #tpu.memory_space<semaphore_mem>> -> memref<1x!tpu.dma_semaphore, #tpu.memory_space<semaphore_mem>>
        %dma_start3A_422 = tpu.memref_squeeze %dma_start3A_421 : memref<1x!tpu.dma_semaphore, #tpu.memory_space<semaphore_mem>> -> memref<!tpu.dma_semaphore, #tpu.memory_space<semaphore_mem>>
        tpu.enqueue_indirect_dma source(%dma_start3A_420 : memref<100000x128xf32, #tpu.memory_space<hbm>>) target(%dma_start3A_414 : memref<128x128xf32, #tpu.memory_space<vmem>>) offsets(%dma_start3A_417 : memref<128xi32, #tpu.memory_space<vmem>>) semaphore(%dma_start3A_422 : memref<!tpu.dma_semaphore, #tpu.memory_space<semaphore_mem>>)
      } else {
      }
      %dma_wait3A_208 = arith.constant 1 : i32
      %dma_wait3A_209 = arith.constant 1 : i32
      %dma_wait3A_210 = arith.constant 1 : i32
      %dma_wait3A_211 = arith.constant 0 : i32
      %dma_wait3A_212 = arith.constant 0 : i32
      %dma_wait3A_213 = tpu.memref_slice %arg6[%dma_wait3A_209, %dma_wait3A_211, %dma_wait3A_212] : memref<5x128x128xf32, #tpu.memory_space<vmem>> -> memref<1x128x128xf32, #tpu.memory_space<vmem>>
      %dma_wait3A_214 = tpu.memref_squeeze %dma_wait3A_213 : memref<1x128x128xf32, #tpu.memory_space<vmem>> -> memref<128x128xf32, #tpu.memory_space<vmem>>
      %dma_wait3A_215 = arith.constant 0 : i32
      %dma_wait3A_216 = tpu.memref_slice %arg5[%dma_wait3A_208, %dma_wait3A_215] : memref<50x128xi32, #tpu.memory_space<vmem>> -> memref<1x128xi32, #tpu.memory_space<vmem>>
      %dma_wait3A_217 = tpu.memref_squeeze %dma_wait3A_216 : memref<1x128xi32, #tpu.memory_space<vmem>> -> memref<128xi32, #tpu.memory_space<vmem>>
      %dma_wait3A_218 = arith.constant 0 : i32
      %dma_wait3A_219 = arith.constant 0 : i32
      %dma_wait3A_220 = tpu.memref_slice %arg2[%dma_wait3A_218, %dma_wait3A_219] : memref<100000x128xf32, #tpu.memory_space<hbm>> -> memref<100000x128xf32, #tpu.memory_space<hbm>>
      %dma_wait3A_221 = tpu.memref_slice %arg7[%dma_wait3A_210] : memref<5x!tpu.dma_semaphore, #tpu.memory_space<semaphore_mem>> -> memref<1x!tpu.dma_semaphore, #tpu.memory_space<semaphore_mem>>
      %dma_wait3A_222 = tpu.memref_squeeze %dma_wait3A_221 : memref<1x!tpu.dma_semaphore, #tpu.memory_space<semaphore_mem>> -> memref<!tpu.dma_semaphore, #tpu.memory_space<semaphore_mem>>
      tpu.wait_indirect_dma semaphore(%dma_wait3A_222 : memref<!tpu.dma_semaphore, #tpu.memory_space<semaphore_mem>>) src(%dma_wait3A_220 : memref<100000x128xf32, #tpu.memory_space<hbm>>) dst(%dma_wait3A_214 : memref<128x128xf32, #tpu.memory_space<vmem>>)
      %add3A_223 = arith.addi %mul3A_2, %add3A_190 : i32
      %mul3A_224 = arith.constant 128 : i32
      %mul3A_225 = arith.muli %add3A_223, %mul3A_224 : i32
      %dma_start3A_226 = arith.constant 1 : i32
      %dma_start3A_227 = arith.constant 1 : i32
      %dma_start3A_228 = arith.constant 0 : i32
      %dma_start3A_229 = arith.constant 0 : i32
      %dma_start3A_230 = tpu.memref_slice %arg6[%dma_start3A_226, %dma_start3A_228, %dma_start3A_229] : memref<5x128x128xf32, #tpu.memory_space<vmem>> -> memref<1x128x128xf32, #tpu.memory_space<vmem>>
      %dma_start3A_231 = tpu.memref_squeeze %dma_start3A_230 : memref<1x128x128xf32, #tpu.memory_space<vmem>> -> memref<128x128xf32, #tpu.memory_space<vmem>>
      %dma_start3A_232 = arith.constant 0 : i32
      %dma_start3A_233 = tpu.memref_slice %arg4[%mul3A_225, %dma_start3A_232] : memref<204800x128xf32, #tpu.memory_space<hbm>> -> memref<128x128xf32, #tpu.memory_space<hbm>>
      %dma_start3A_234 = tpu.memref_slice %arg8[%dma_start3A_227] : memref<5x!tpu.dma_semaphore, #tpu.memory_space<semaphore_mem>> -> memref<1x!tpu.dma_semaphore, #tpu.memory_space<semaphore_mem>>
      %dma_start3A_235 = tpu.memref_squeeze %dma_start3A_234 : memref<1x!tpu.dma_semaphore, #tpu.memory_space<semaphore_mem>> -> memref<!tpu.dma_semaphore, #tpu.memory_space<semaphore_mem>>
      %dma_start3A_236 = arith.constant 0 : i32
      %dma_start3A_237 = tpu.memref_slice %arg4[%mul3A_225, %dma_start3A_236] : memref<204800x128xf32, #tpu.memory_space<hbm>> -> memref<128x128xf32, #tpu.memory_space<hbm>>
      %dma_start3A_238 = arith.constant 0 : i32
      %dma_start3A_239 = arith.constant 0 : i32
      %dma_start3A_240 = tpu.memref_slice %arg6[%dma_start3A_226, %dma_start3A_238, %dma_start3A_239] : memref<5x128x128xf32, #tpu.memory_space<vmem>> -> memref<1x128x128xf32, #tpu.memory_space<vmem>>
      %dma_start3A_241 = tpu.memref_squeeze %dma_start3A_240 : memref<1x128x128xf32, #tpu.memory_space<vmem>> -> memref<128x128xf32, #tpu.memory_space<vmem>>
      tpu.enqueue_dma source(%dma_start3A_241 : memref<128x128xf32, #tpu.memory_space<vmem>>) target(%dma_start3A_237 : memref<128x128xf32, #tpu.memory_space<hbm>>) target_semaphore(%dma_start3A_235 : memref<!tpu.dma_semaphore, #tpu.memory_space<semaphore_mem>>)
      %mul3A_242 = arith.constant 5 : i32
      %mul3A_243 = arith.muli %scan3A_136, %mul3A_242 : i32
      %add3A_244 = arith.constant 2 : i32
      %add3A_245 = arith.addi %mul3A_243, %add3A_244 : i32
      %ge3A_246 = arith.constant 3 : i32
      %ge3A_247 = arith.cmpi sge, %add3A_245, %ge3A_246 : i32
      %add3A_248 = arith.constant 2 : i32
      %add3A_249 = arith.addi %add3A_245, %add3A_248 : i32
      %lt3A_250 = arith.constant 50 : i32
      %lt3A_251 = arith.cmpi slt, %add3A_249, %lt3A_250 : i32
      %and3A_252 = arith.andi %ge3A_247, %lt3A_251 : i1
      %convert_element_type3A_253 = arith.extui %and3A_252 : i1 to i32
      %cond3A_254 = arith.constant 0 : i32
      %cond3A_255 = arith.cmpi ne, %convert_element_type3A_253, %cond3A_254 : i32
      scf.if %cond3A_255 {
        %add3A_407 = arith.addi %mul3A_2, %add3A_245 : i32
        %sub3A = arith.constant 3 : i32
        %sub3A_408 = arith.subi %add3A_407, %sub3A : i32
        %mul3A_409 = arith.constant 128 : i32
        %mul3A_410 = arith.muli %sub3A_408, %mul3A_409 : i32
        %dma_wait3A_411 = arith.constant 4 : i32
        %dma_wait3A_412 = arith.constant 4 : i32
        %dma_wait3A_413 = arith.constant 0 : i32
        %dma_wait3A_414 = arith.constant 0 : i32
        %dma_wait3A_415 = tpu.memref_slice %arg6[%dma_wait3A_411, %dma_wait3A_413, %dma_wait3A_414] : memref<5x128x128xf32, #tpu.memory_space<vmem>> -> memref<1x128x128xf32, #tpu.memory_space<vmem>>
        %dma_wait3A_416 = tpu.memref_squeeze %dma_wait3A_415 : memref<1x128x128xf32, #tpu.memory_space<vmem>> -> memref<128x128xf32, #tpu.memory_space<vmem>>
        %dma_wait3A_417 = arith.constant 0 : i32
        %dma_wait3A_418 = tpu.memref_slice %arg4[%mul3A_410, %dma_wait3A_417] : memref<204800x128xf32, #tpu.memory_space<hbm>> -> memref<128x128xf32, #tpu.memory_space<hbm>>
        %dma_wait3A_419 = tpu.memref_slice %arg8[%dma_wait3A_412] : memref<5x!tpu.dma_semaphore, #tpu.memory_space<semaphore_mem>> -> memref<1x!tpu.dma_semaphore, #tpu.memory_space<semaphore_mem>>
        %dma_wait3A_420 = tpu.memref_squeeze %dma_wait3A_419 : memref<1x!tpu.dma_semaphore, #tpu.memory_space<semaphore_mem>> -> memref<!tpu.dma_semaphore, #tpu.memory_space<semaphore_mem>>
        %dma_wait3A_421 = arith.constant 0 : i32
        %dma_wait3A_422 = tpu.memref_slice %arg4[%mul3A_410, %dma_wait3A_421] : memref<204800x128xf32, #tpu.memory_space<hbm>> -> memref<128x128xf32, #tpu.memory_space<hbm>>
        %dma_wait3A_423 = arith.constant 0 : i32
        %dma_wait3A_424 = arith.constant 0 : i32
        %dma_wait3A_425 = tpu.memref_slice %arg6[%dma_wait3A_411, %dma_wait3A_423, %dma_wait3A_424] : memref<5x128x128xf32, #tpu.memory_space<vmem>> -> memref<1x128x128xf32, #tpu.memory_space<vmem>>
        %dma_wait3A_426 = tpu.memref_squeeze %dma_wait3A_425 : memref<1x128x128xf32, #tpu.memory_space<vmem>> -> memref<128x128xf32, #tpu.memory_space<vmem>>
        tpu.wait_dma2 semaphore(%dma_wait3A_420 : memref<!tpu.dma_semaphore, #tpu.memory_space<semaphore_mem>>) src(%dma_wait3A_426 : memref<128x128xf32, #tpu.memory_space<vmem>>) dst(%dma_wait3A_422 : memref<128x128xf32, #tpu.memory_space<hbm>>)
      } else {
      }
      %add3A_256 = arith.constant 2 : i32
      %add3A_257 = arith.addi %add3A_245, %add3A_256 : i32
      %lt3A_258 = arith.constant 50 : i32
      %lt3A_259 = arith.cmpi slt, %add3A_257, %lt3A_258 : i32
      %convert_element_type3A_260 = arith.extui %lt3A_259 : i1 to i32
      %cond3A_261 = arith.constant 0 : i32
      %cond3A_262 = arith.cmpi ne, %convert_element_type3A_260, %cond3A_261 : i32
      scf.if %cond3A_262 {
        %add3A_407 = arith.constant 2 : i32
        %add3A_408 = arith.addi %add3A_245, %add3A_407 : i32
        %dma_start3A_409 = arith.constant 4 : i32
        %dma_start3A_410 = arith.constant 4 : i32
        %dma_start3A_411 = arith.constant 0 : i32
        %dma_start3A_412 = arith.constant 0 : i32
        %dma_start3A_413 = tpu.memref_slice %arg6[%dma_start3A_409, %dma_start3A_411, %dma_start3A_412] : memref<5x128x128xf32, #tpu.memory_space<vmem>> -> memref<1x128x128xf32, #tpu.memory_space<vmem>>
        %dma_start3A_414 = tpu.memref_squeeze %dma_start3A_413 : memref<1x128x128xf32, #tpu.memory_space<vmem>> -> memref<128x128xf32, #tpu.memory_space<vmem>>
        %dma_start3A_415 = arith.constant 0 : i32
        %dma_start3A_416 = tpu.memref_slice %arg5[%add3A_408, %dma_start3A_415] : memref<50x128xi32, #tpu.memory_space<vmem>> -> memref<1x128xi32, #tpu.memory_space<vmem>>
        %dma_start3A_417 = tpu.memref_squeeze %dma_start3A_416 : memref<1x128xi32, #tpu.memory_space<vmem>> -> memref<128xi32, #tpu.memory_space<vmem>>
        %dma_start3A_418 = arith.constant 0 : i32
        %dma_start3A_419 = arith.constant 0 : i32
        %dma_start3A_420 = tpu.memref_slice %arg2[%dma_start3A_418, %dma_start3A_419] : memref<100000x128xf32, #tpu.memory_space<hbm>> -> memref<100000x128xf32, #tpu.memory_space<hbm>>
        %dma_start3A_421 = tpu.memref_slice %arg7[%dma_start3A_410] : memref<5x!tpu.dma_semaphore, #tpu.memory_space<semaphore_mem>> -> memref<1x!tpu.dma_semaphore, #tpu.memory_space<semaphore_mem>>
        %dma_start3A_422 = tpu.memref_squeeze %dma_start3A_421 : memref<1x!tpu.dma_semaphore, #tpu.memory_space<semaphore_mem>> -> memref<!tpu.dma_semaphore, #tpu.memory_space<semaphore_mem>>
        tpu.enqueue_indirect_dma source(%dma_start3A_420 : memref<100000x128xf32, #tpu.memory_space<hbm>>) target(%dma_start3A_414 : memref<128x128xf32, #tpu.memory_space<vmem>>) offsets(%dma_start3A_417 : memref<128xi32, #tpu.memory_space<vmem>>) semaphore(%dma_start3A_422 : memref<!tpu.dma_semaphore, #tpu.memory_space<semaphore_mem>>)
      } else {
      }
      %dma_wait3A_263 = arith.constant 2 : i32
      %dma_wait3A_264 = arith.constant 2 : i32
      %dma_wait3A_265 = arith.constant 2 : i32
      %dma_wait3A_266 = arith.constant 0 : i32
      %dma_wait3A_267 = arith.constant 0 : i32
      %dma_wait3A_268 = tpu.memref_slice %arg6[%dma_wait3A_264, %dma_wait3A_266, %dma_wait3A_267] : memref<5x128x128xf32, #tpu.memory_space<vmem>> -> memref<1x128x128xf32, #tpu.memory_space<vmem>>
      %dma_wait3A_269 = tpu.memref_squeeze %dma_wait3A_268 : memref<1x128x128xf32, #tpu.memory_space<vmem>> -> memref<128x128xf32, #tpu.memory_space<vmem>>
      %dma_wait3A_270 = arith.constant 0 : i32
      %dma_wait3A_271 = tpu.memref_slice %arg5[%dma_wait3A_263, %dma_wait3A_270] : memref<50x128xi32, #tpu.memory_space<vmem>> -> memref<1x128xi32, #tpu.memory_space<vmem>>
      %dma_wait3A_272 = tpu.memref_squeeze %dma_wait3A_271 : memref<1x128xi32, #tpu.memory_space<vmem>> -> memref<128xi32, #tpu.memory_space<vmem>>
      %dma_wait3A_273 = arith.constant 0 : i32
      %dma_wait3A_274 = arith.constant 0 : i32
      %dma_wait3A_275 = tpu.memref_slice %arg2[%dma_wait3A_273, %dma_wait3A_274] : memref<100000x128xf32, #tpu.memory_space<hbm>> -> memref<100000x128xf32, #tpu.memory_space<hbm>>
      %dma_wait3A_276 = tpu.memref_slice %arg7[%dma_wait3A_265] : memref<5x!tpu.dma_semaphore, #tpu.memory_space<semaphore_mem>> -> memref<1x!tpu.dma_semaphore, #tpu.memory_space<semaphore_mem>>
      %dma_wait3A_277 = tpu.memref_squeeze %dma_wait3A_276 : memref<1x!tpu.dma_semaphore, #tpu.memory_space<semaphore_mem>> -> memref<!tpu.dma_semaphore, #tpu.memory_space<semaphore_mem>>
      tpu.wait_indirect_dma semaphore(%dma_wait3A_277 : memref<!tpu.dma_semaphore, #tpu.memory_space<semaphore_mem>>) src(%dma_wait3A_275 : memref<100000x128xf32, #tpu.memory_space<hbm>>) dst(%dma_wait3A_269 : memref<128x128xf32, #tpu.memory_space<vmem>>)
      %add3A_278 = arith.addi %mul3A_2, %add3A_245 : i32
      %mul3A_279 = arith.constant 128 : i32
      %mul3A_280 = arith.muli %add3A_278, %mul3A_279 : i32
      %dma_start3A_281 = arith.constant 2 : i32
      %dma_start3A_282 = arith.constant 2 : i32
      %dma_start3A_283 = arith.constant 0 : i32
      %dma_start3A_284 = arith.constant 0 : i32
      %dma_start3A_285 = tpu.memref_slice %arg6[%dma_start3A_281, %dma_start3A_283, %dma_start3A_284] : memref<5x128x128xf32, #tpu.memory_space<vmem>> -> memref<1x128x128xf32, #tpu.memory_space<vmem>>
      %dma_start3A_286 = tpu.memref_squeeze %dma_start3A_285 : memref<1x128x128xf32, #tpu.memory_space<vmem>> -> memref<128x128xf32, #tpu.memory_space<vmem>>
      %dma_start3A_287 = arith.constant 0 : i32
      %dma_start3A_288 = tpu.memref_slice %arg4[%mul3A_280, %dma_start3A_287] : memref<204800x128xf32, #tpu.memory_space<hbm>> -> memref<128x128xf32, #tpu.memory_space<hbm>>
      %dma_start3A_289 = tpu.memref_slice %arg8[%dma_start3A_282] : memref<5x!tpu.dma_semaphore, #tpu.memory_space<semaphore_mem>> -> memref<1x!tpu.dma_semaphore, #tpu.memory_space<semaphore_mem>>
      %dma_start3A_290 = tpu.memref_squeeze %dma_start3A_289 : memref<1x!tpu.dma_semaphore, #tpu.memory_space<semaphore_mem>> -> memref<!tpu.dma_semaphore, #tpu.memory_space<semaphore_mem>>
      %dma_start3A_291 = arith.constant 0 : i32
      %dma_start3A_292 = tpu.memref_slice %arg4[%mul3A_280, %dma_start3A_291] : memref<204800x128xf32, #tpu.memory_space<hbm>> -> memref<128x128xf32, #tpu.memory_space<hbm>>
      %dma_start3A_293 = arith.constant 0 : i32
      %dma_start3A_294 = arith.constant 0 : i32
      %dma_start3A_295 = tpu.memref_slice %arg6[%dma_start3A_281, %dma_start3A_293, %dma_start3A_294] : memref<5x128x128xf32, #tpu.memory_space<vmem>> -> memref<1x128x128xf32, #tpu.memory_space<vmem>>
      %dma_start3A_296 = tpu.memref_squeeze %dma_start3A_295 : memref<1x128x128xf32, #tpu.memory_space<vmem>> -> memref<128x128xf32, #tpu.memory_space<vmem>>
      tpu.enqueue_dma source(%dma_start3A_296 : memref<128x128xf32, #tpu.memory_space<vmem>>) target(%dma_start3A_292 : memref<128x128xf32, #tpu.memory_space<hbm>>) target_semaphore(%dma_start3A_290 : memref<!tpu.dma_semaphore, #tpu.memory_space<semaphore_mem>>)
      %mul3A_297 = arith.constant 5 : i32
      %mul3A_298 = arith.muli %scan3A_136, %mul3A_297 : i32
      %add3A_299 = arith.constant 3 : i32
      %add3A_300 = arith.addi %mul3A_298, %add3A_299 : i32
      %ge3A_301 = arith.constant 3 : i32
      %ge3A_302 = arith.cmpi sge, %add3A_300, %ge3A_301 : i32
      %add3A_303 = arith.constant 2 : i32
      %add3A_304 = arith.addi %add3A_300, %add3A_303 : i32
      %lt3A_305 = arith.constant 50 : i32
      %lt3A_306 = arith.cmpi slt, %add3A_304, %lt3A_305 : i32
      %and3A_307 = arith.andi %ge3A_302, %lt3A_306 : i1
      %convert_element_type3A_308 = arith.extui %and3A_307 : i1 to i32
      %cond3A_309 = arith.constant 0 : i32
      %cond3A_310 = arith.cmpi ne, %convert_element_type3A_308, %cond3A_309 : i32
      scf.if %cond3A_310 {
        %add3A_407 = arith.addi %mul3A_2, %add3A_300 : i32
        %sub3A = arith.constant 3 : i32
        %sub3A_408 = arith.subi %add3A_407, %sub3A : i32
        %mul3A_409 = arith.constant 128 : i32
        %mul3A_410 = arith.muli %sub3A_408, %mul3A_409 : i32
        %dma_wait3A_411 = arith.constant 0 : i32
        %dma_wait3A_412 = arith.constant 0 : i32
        %dma_wait3A_413 = arith.constant 0 : i32
        %dma_wait3A_414 = arith.constant 0 : i32
        %dma_wait3A_415 = tpu.memref_slice %arg6[%dma_wait3A_411, %dma_wait3A_413, %dma_wait3A_414] : memref<5x128x128xf32, #tpu.memory_space<vmem>> -> memref<1x128x128xf32, #tpu.memory_space<vmem>>
        %dma_wait3A_416 = tpu.memref_squeeze %dma_wait3A_415 : memref<1x128x128xf32, #tpu.memory_space<vmem>> -> memref<128x128xf32, #tpu.memory_space<vmem>>
        %dma_wait3A_417 = arith.constant 0 : i32
        %dma_wait3A_418 = tpu.memref_slice %arg4[%mul3A_410, %dma_wait3A_417] : memref<204800x128xf32, #tpu.memory_space<hbm>> -> memref<128x128xf32, #tpu.memory_space<hbm>>
        %dma_wait3A_419 = tpu.memref_slice %arg8[%dma_wait3A_412] : memref<5x!tpu.dma_semaphore, #tpu.memory_space<semaphore_mem>> -> memref<1x!tpu.dma_semaphore, #tpu.memory_space<semaphore_mem>>
        %dma_wait3A_420 = tpu.memref_squeeze %dma_wait3A_419 : memref<1x!tpu.dma_semaphore, #tpu.memory_space<semaphore_mem>> -> memref<!tpu.dma_semaphore, #tpu.memory_space<semaphore_mem>>
        %dma_wait3A_421 = arith.constant 0 : i32
        %dma_wait3A_422 = tpu.memref_slice %arg4[%mul3A_410, %dma_wait3A_421] : memref<204800x128xf32, #tpu.memory_space<hbm>> -> memref<128x128xf32, #tpu.memory_space<hbm>>
        %dma_wait3A_423 = arith.constant 0 : i32
        %dma_wait3A_424 = arith.constant 0 : i32
        %dma_wait3A_425 = tpu.memref_slice %arg6[%dma_wait3A_411, %dma_wait3A_423, %dma_wait3A_424] : memref<5x128x128xf32, #tpu.memory_space<vmem>> -> memref<1x128x128xf32, #tpu.memory_space<vmem>>
        %dma_wait3A_426 = tpu.memref_squeeze %dma_wait3A_425 : memref<1x128x128xf32, #tpu.memory_space<vmem>> -> memref<128x128xf32, #tpu.memory_space<vmem>>
        tpu.wait_dma2 semaphore(%dma_wait3A_420 : memref<!tpu.dma_semaphore, #tpu.memory_space<semaphore_mem>>) src(%dma_wait3A_426 : memref<128x128xf32, #tpu.memory_space<vmem>>) dst(%dma_wait3A_422 : memref<128x128xf32, #tpu.memory_space<hbm>>)
      } else {
      }
      %add3A_311 = arith.constant 2 : i32
      %add3A_312 = arith.addi %add3A_300, %add3A_311 : i32
      %lt3A_313 = arith.constant 50 : i32
      %lt3A_314 = arith.cmpi slt, %add3A_312, %lt3A_313 : i32
      %convert_element_type3A_315 = arith.extui %lt3A_314 : i1 to i32
      %cond3A_316 = arith.constant 0 : i32
      %cond3A_317 = arith.cmpi ne, %convert_element_type3A_315, %cond3A_316 : i32
      scf.if %cond3A_317 {
        %add3A_407 = arith.constant 2 : i32
        %add3A_408 = arith.addi %add3A_300, %add3A_407 : i32
        %dma_start3A_409 = arith.constant 0 : i32
        %dma_start3A_410 = arith.constant 0 : i32
        %dma_start3A_411 = arith.constant 0 : i32
        %dma_start3A_412 = arith.constant 0 : i32
        %dma_start3A_413 = tpu.memref_slice %arg6[%dma_start3A_409, %dma_start3A_411, %dma_start3A_412] : memref<5x128x128xf32, #tpu.memory_space<vmem>> -> memref<1x128x128xf32, #tpu.memory_space<vmem>>
        %dma_start3A_414 = tpu.memref_squeeze %dma_start3A_413 : memref<1x128x128xf32, #tpu.memory_space<vmem>> -> memref<128x128xf32, #tpu.memory_space<vmem>>
        %dma_start3A_415 = arith.constant 0 : i32
        %dma_start3A_416 = tpu.memref_slice %arg5[%add3A_408, %dma_start3A_415] : memref<50x128xi32, #tpu.memory_space<vmem>> -> memref<1x128xi32, #tpu.memory_space<vmem>>
        %dma_start3A_417 = tpu.memref_squeeze %dma_start3A_416 : memref<1x128xi32, #tpu.memory_space<vmem>> -> memref<128xi32, #tpu.memory_space<vmem>>
        %dma_start3A_418 = arith.constant 0 : i32
        %dma_start3A_419 = arith.constant 0 : i32
        %dma_start3A_420 = tpu.memref_slice %arg2[%dma_start3A_418, %dma_start3A_419] : memref<100000x128xf32, #tpu.memory_space<hbm>> -> memref<100000x128xf32, #tpu.memory_space<hbm>>
        %dma_start3A_421 = tpu.memref_slice %arg7[%dma_start3A_410] : memref<5x!tpu.dma_semaphore, #tpu.memory_space<semaphore_mem>> -> memref<1x!tpu.dma_semaphore, #tpu.memory_space<semaphore_mem>>
        %dma_start3A_422 = tpu.memref_squeeze %dma_start3A_421 : memref<1x!tpu.dma_semaphore, #tpu.memory_space<semaphore_mem>> -> memref<!tpu.dma_semaphore, #tpu.memory_space<semaphore_mem>>
        tpu.enqueue_indirect_dma source(%dma_start3A_420 : memref<100000x128xf32, #tpu.memory_space<hbm>>) target(%dma_start3A_414 : memref<128x128xf32, #tpu.memory_space<vmem>>) offsets(%dma_start3A_417 : memref<128xi32, #tpu.memory_space<vmem>>) semaphore(%dma_start3A_422 : memref<!tpu.dma_semaphore, #tpu.memory_space<semaphore_mem>>)
      } else {
      }
      %dma_wait3A_318 = arith.constant 3 : i32
      %dma_wait3A_319 = arith.constant 3 : i32
      %dma_wait3A_320 = arith.constant 3 : i32
      %dma_wait3A_321 = arith.constant 0 : i32
      %dma_wait3A_322 = arith.constant 0 : i32
      %dma_wait3A_323 = tpu.memref_slice %arg6[%dma_wait3A_319, %dma_wait3A_321, %dma_wait3A_322] : memref<5x128x128xf32, #tpu.memory_space<vmem>> -> memref<1x128x128xf32, #tpu.memory_space<vmem>>
      %dma_wait3A_324 = tpu.memref_squeeze %dma_wait3A_323 : memref<1x128x128xf32, #tpu.memory_space<vmem>> -> memref<128x128xf32, #tpu.memory_space<vmem>>
      %dma_wait3A_325 = arith.constant 0 : i32
      %dma_wait3A_326 = tpu.memref_slice %arg5[%dma_wait3A_318, %dma_wait3A_325] : memref<50x128xi32, #tpu.memory_space<vmem>> -> memref<1x128xi32, #tpu.memory_space<vmem>>
      %dma_wait3A_327 = tpu.memref_squeeze %dma_wait3A_326 : memref<1x128xi32, #tpu.memory_space<vmem>> -> memref<128xi32, #tpu.memory_space<vmem>>
      %dma_wait3A_328 = arith.constant 0 : i32
      %dma_wait3A_329 = arith.constant 0 : i32
      %dma_wait3A_330 = tpu.memref_slice %arg2[%dma_wait3A_328, %dma_wait3A_329] : memref<100000x128xf32, #tpu.memory_space<hbm>> -> memref<100000x128xf32, #tpu.memory_space<hbm>>
      %dma_wait3A_331 = tpu.memref_slice %arg7[%dma_wait3A_320] : memref<5x!tpu.dma_semaphore, #tpu.memory_space<semaphore_mem>> -> memref<1x!tpu.dma_semaphore, #tpu.memory_space<semaphore_mem>>
      %dma_wait3A_332 = tpu.memref_squeeze %dma_wait3A_331 : memref<1x!tpu.dma_semaphore, #tpu.memory_space<semaphore_mem>> -> memref<!tpu.dma_semaphore, #tpu.memory_space<semaphore_mem>>
      tpu.wait_indirect_dma semaphore(%dma_wait3A_332 : memref<!tpu.dma_semaphore, #tpu.memory_space<semaphore_mem>>) src(%dma_wait3A_330 : memref<100000x128xf32, #tpu.memory_space<hbm>>) dst(%dma_wait3A_324 : memref<128x128xf32, #tpu.memory_space<vmem>>)
      %add3A_333 = arith.addi %mul3A_2, %add3A_300 : i32
      %mul3A_334 = arith.constant 128 : i32
      %mul3A_335 = arith.muli %add3A_333, %mul3A_334 : i32
      %dma_start3A_336 = arith.constant 3 : i32
      %dma_start3A_337 = arith.constant 3 : i32
      %dma_start3A_338 = arith.constant 0 : i32
      %dma_start3A_339 = arith.constant 0 : i32
      %dma_start3A_340 = tpu.memref_slice %arg6[%dma_start3A_336, %dma_start3A_338, %dma_start3A_339] : memref<5x128x128xf32, #tpu.memory_space<vmem>> -> memref<1x128x128xf32, #tpu.memory_space<vmem>>
      %dma_start3A_341 = tpu.memref_squeeze %dma_start3A_340 : memref<1x128x128xf32, #tpu.memory_space<vmem>> -> memref<128x128xf32, #tpu.memory_space<vmem>>
      %dma_start3A_342 = arith.constant 0 : i32
      %dma_start3A_343 = tpu.memref_slice %arg4[%mul3A_335, %dma_start3A_342] : memref<204800x128xf32, #tpu.memory_space<hbm>> -> memref<128x128xf32, #tpu.memory_space<hbm>>
      %dma_start3A_344 = tpu.memref_slice %arg8[%dma_start3A_337] : memref<5x!tpu.dma_semaphore, #tpu.memory_space<semaphore_mem>> -> memref<1x!tpu.dma_semaphore, #tpu.memory_space<semaphore_mem>>
      %dma_start3A_345 = tpu.memref_squeeze %dma_start3A_344 : memref<1x!tpu.dma_semaphore, #tpu.memory_space<semaphore_mem>> -> memref<!tpu.dma_semaphore, #tpu.memory_space<semaphore_mem>>
      %dma_start3A_346 = arith.constant 0 : i32
      %dma_start3A_347 = tpu.memref_slice %arg4[%mul3A_335, %dma_start3A_346] : memref<204800x128xf32, #tpu.memory_space<hbm>> -> memref<128x128xf32, #tpu.memory_space<hbm>>
      %dma_start3A_348 = arith.constant 0 : i32
      %dma_start3A_349 = arith.constant 0 : i32
      %dma_start3A_350 = tpu.memref_slice %arg6[%dma_start3A_336, %dma_start3A_348, %dma_start3A_349] : memref<5x128x128xf32, #tpu.memory_space<vmem>> -> memref<1x128x128xf32, #tpu.memory_space<vmem>>
      %dma_start3A_351 = tpu.memref_squeeze %dma_start3A_350 : memref<1x128x128xf32, #tpu.memory_space<vmem>> -> memref<128x128xf32, #tpu.memory_space<vmem>>
      tpu.enqueue_dma source(%dma_start3A_351 : memref<128x128xf32, #tpu.memory_space<vmem>>) target(%dma_start3A_347 : memref<128x128xf32, #tpu.memory_space<hbm>>) target_semaphore(%dma_start3A_345 : memref<!tpu.dma_semaphore, #tpu.memory_space<semaphore_mem>>)
      %mul3A_352 = arith.constant 5 : i32
      %mul3A_353 = arith.muli %scan3A_136, %mul3A_352 : i32
      %add3A_354 = arith.constant 4 : i32
      %add3A_355 = arith.addi %mul3A_353, %add3A_354 : i32
      %ge3A_356 = arith.constant 3 : i32
      %ge3A_357 = arith.cmpi sge, %add3A_355, %ge3A_356 : i32
      %add3A_358 = arith.constant 2 : i32
      %add3A_359 = arith.addi %add3A_355, %add3A_358 : i32
      %lt3A_360 = arith.constant 50 : i32
      %lt3A_361 = arith.cmpi slt, %add3A_359, %lt3A_360 : i32
      %and3A_362 = arith.andi %ge3A_357, %lt3A_361 : i1
      %convert_element_type3A_363 = arith.extui %and3A_362 : i1 to i32
      %cond3A_364 = arith.constant 0 : i32
      %cond3A_365 = arith.cmpi ne, %convert_element_type3A_363, %cond3A_364 : i32
      scf.if %cond3A_365 {
        %add3A_407 = arith.addi %mul3A_2, %add3A_355 : i32
        %sub3A = arith.constant 3 : i32
        %sub3A_408 = arith.subi %add3A_407, %sub3A : i32
        %mul3A_409 = arith.constant 128 : i32
        %mul3A_410 = arith.muli %sub3A_408, %mul3A_409 : i32
        %dma_wait3A_411 = arith.constant 1 : i32
        %dma_wait3A_412 = arith.constant 1 : i32
        %dma_wait3A_413 = arith.constant 0 : i32
        %dma_wait3A_414 = arith.constant 0 : i32
        %dma_wait3A_415 = tpu.memref_slice %arg6[%dma_wait3A_411, %dma_wait3A_413, %dma_wait3A_414] : memref<5x128x128xf32, #tpu.memory_space<vmem>> -> memref<1x128x128xf32, #tpu.memory_space<vmem>>
        %dma_wait3A_416 = tpu.memref_squeeze %dma_wait3A_415 : memref<1x128x128xf32, #tpu.memory_space<vmem>> -> memref<128x128xf32, #tpu.memory_space<vmem>>
        %dma_wait3A_417 = arith.constant 0 : i32
        %dma_wait3A_418 = tpu.memref_slice %arg4[%mul3A_410, %dma_wait3A_417] : memref<204800x128xf32, #tpu.memory_space<hbm>> -> memref<128x128xf32, #tpu.memory_space<hbm>>
        %dma_wait3A_419 = tpu.memref_slice %arg8[%dma_wait3A_412] : memref<5x!tpu.dma_semaphore, #tpu.memory_space<semaphore_mem>> -> memref<1x!tpu.dma_semaphore, #tpu.memory_space<semaphore_mem>>
        %dma_wait3A_420 = tpu.memref_squeeze %dma_wait3A_419 : memref<1x!tpu.dma_semaphore, #tpu.memory_space<semaphore_mem>> -> memref<!tpu.dma_semaphore, #tpu.memory_space<semaphore_mem>>
        %dma_wait3A_421 = arith.constant 0 : i32
        %dma_wait3A_422 = tpu.memref_slice %arg4[%mul3A_410, %dma_wait3A_421] : memref<204800x128xf32, #tpu.memory_space<hbm>> -> memref<128x128xf32, #tpu.memory_space<hbm>>
        %dma_wait3A_423 = arith.constant 0 : i32
        %dma_wait3A_424 = arith.constant 0 : i32
        %dma_wait3A_425 = tpu.memref_slice %arg6[%dma_wait3A_411, %dma_wait3A_423, %dma_wait3A_424] : memref<5x128x128xf32, #tpu.memory_space<vmem>> -> memref<1x128x128xf32, #tpu.memory_space<vmem>>
        %dma_wait3A_426 = tpu.memref_squeeze %dma_wait3A_425 : memref<1x128x128xf32, #tpu.memory_space<vmem>> -> memref<128x128xf32, #tpu.memory_space<vmem>>
        tpu.wait_dma2 semaphore(%dma_wait3A_420 : memref<!tpu.dma_semaphore, #tpu.memory_space<semaphore_mem>>) src(%dma_wait3A_426 : memref<128x128xf32, #tpu.memory_space<vmem>>) dst(%dma_wait3A_422 : memref<128x128xf32, #tpu.memory_space<hbm>>)
      } else {
      }
      %add3A_366 = arith.constant 2 : i32
      %add3A_367 = arith.addi %add3A_355, %add3A_366 : i32
      %lt3A_368 = arith.constant 50 : i32
      %lt3A_369 = arith.cmpi slt, %add3A_367, %lt3A_368 : i32
      %convert_element_type3A_370 = arith.extui %lt3A_369 : i1 to i32
      %cond3A_371 = arith.constant 0 : i32
      %cond3A_372 = arith.cmpi ne, %convert_element_type3A_370, %cond3A_371 : i32
      scf.if %cond3A_372 {
        %add3A_407 = arith.constant 2 : i32
        %add3A_408 = arith.addi %add3A_355, %add3A_407 : i32
        %dma_start3A_409 = arith.constant 1 : i32
        %dma_start3A_410 = arith.constant 1 : i32
        %dma_start3A_411 = arith.constant 0 : i32
        %dma_start3A_412 = arith.constant 0 : i32
        %dma_start3A_413 = tpu.memref_slice %arg6[%dma_start3A_409, %dma_start3A_411, %dma_start3A_412] : memref<5x128x128xf32, #tpu.memory_space<vmem>> -> memref<1x128x128xf32, #tpu.memory_space<vmem>>
        %dma_start3A_414 = tpu.memref_squeeze %dma_start3A_413 : memref<1x128x128xf32, #tpu.memory_space<vmem>> -> memref<128x128xf32, #tpu.memory_space<vmem>>
        %dma_start3A_415 = arith.constant 0 : i32
        %dma_start3A_416 = tpu.memref_slice %arg5[%add3A_408, %dma_start3A_415] : memref<50x128xi32, #tpu.memory_space<vmem>> -> memref<1x128xi32, #tpu.memory_space<vmem>>
        %dma_start3A_417 = tpu.memref_squeeze %dma_start3A_416 : memref<1x128xi32, #tpu.memory_space<vmem>> -> memref<128xi32, #tpu.memory_space<vmem>>
        %dma_start3A_418 = arith.constant 0 : i32
        %dma_start3A_419 = arith.constant 0 : i32
        %dma_start3A_420 = tpu.memref_slice %arg2[%dma_start3A_418, %dma_start3A_419] : memref<100000x128xf32, #tpu.memory_space<hbm>> -> memref<100000x128xf32, #tpu.memory_space<hbm>>
        %dma_start3A_421 = tpu.memref_slice %arg7[%dma_start3A_410] : memref<5x!tpu.dma_semaphore, #tpu.memory_space<semaphore_mem>> -> memref<1x!tpu.dma_semaphore, #tpu.memory_space<semaphore_mem>>
        %dma_start3A_422 = tpu.memref_squeeze %dma_start3A_421 : memref<1x!tpu.dma_semaphore, #tpu.memory_space<semaphore_mem>> -> memref<!tpu.dma_semaphore, #tpu.memory_space<semaphore_mem>>
        tpu.enqueue_indirect_dma source(%dma_start3A_420 : memref<100000x128xf32, #tpu.memory_space<hbm>>) target(%dma_start3A_414 : memref<128x128xf32, #tpu.memory_space<vmem>>) offsets(%dma_start3A_417 : memref<128xi32, #tpu.memory_space<vmem>>) semaphore(%dma_start3A_422 : memref<!tpu.dma_semaphore, #tpu.memory_space<semaphore_mem>>)
      } else {
      }
      %dma_wait3A_373 = arith.constant 4 : i32
      %dma_wait3A_374 = arith.constant 4 : i32
      %dma_wait3A_375 = arith.constant 4 : i32
      %dma_wait3A_376 = arith.constant 0 : i32
      %dma_wait3A_377 = arith.constant 0 : i32
      %dma_wait3A_378 = tpu.memref_slice %arg6[%dma_wait3A_374, %dma_wait3A_376, %dma_wait3A_377] : memref<5x128x128xf32, #tpu.memory_space<vmem>> -> memref<1x128x128xf32, #tpu.memory_space<vmem>>
      %dma_wait3A_379 = tpu.memref_squeeze %dma_wait3A_378 : memref<1x128x128xf32, #tpu.memory_space<vmem>> -> memref<128x128xf32, #tpu.memory_space<vmem>>
      %dma_wait3A_380 = arith.constant 0 : i32
      %dma_wait3A_381 = tpu.memref_slice %arg5[%dma_wait3A_373, %dma_wait3A_380] : memref<50x128xi32, #tpu.memory_space<vmem>> -> memref<1x128xi32, #tpu.memory_space<vmem>>
      %dma_wait3A_382 = tpu.memref_squeeze %dma_wait3A_381 : memref<1x128xi32, #tpu.memory_space<vmem>> -> memref<128xi32, #tpu.memory_space<vmem>>
      %dma_wait3A_383 = arith.constant 0 : i32
      %dma_wait3A_384 = arith.constant 0 : i32
      %dma_wait3A_385 = tpu.memref_slice %arg2[%dma_wait3A_383, %dma_wait3A_384] : memref<100000x128xf32, #tpu.memory_space<hbm>> -> memref<100000x128xf32, #tpu.memory_space<hbm>>
      %dma_wait3A_386 = tpu.memref_slice %arg7[%dma_wait3A_375] : memref<5x!tpu.dma_semaphore, #tpu.memory_space<semaphore_mem>> -> memref<1x!tpu.dma_semaphore, #tpu.memory_space<semaphore_mem>>
      %dma_wait3A_387 = tpu.memref_squeeze %dma_wait3A_386 : memref<1x!tpu.dma_semaphore, #tpu.memory_space<semaphore_mem>> -> memref<!tpu.dma_semaphore, #tpu.memory_space<semaphore_mem>>
      tpu.wait_indirect_dma semaphore(%dma_wait3A_387 : memref<!tpu.dma_semaphore, #tpu.memory_space<semaphore_mem>>) src(%dma_wait3A_385 : memref<100000x128xf32, #tpu.memory_space<hbm>>) dst(%dma_wait3A_379 : memref<128x128xf32, #tpu.memory_space<vmem>>)
      %add3A_388 = arith.addi %mul3A_2, %add3A_355 : i32
      %mul3A_389 = arith.constant 128 : i32
      %mul3A_390 = arith.muli %add3A_388, %mul3A_389 : i32
      %dma_start3A_391 = arith.constant 4 : i32
      %dma_start3A_392 = arith.constant 4 : i32
      %dma_start3A_393 = arith.constant 0 : i32
      %dma_start3A_394 = arith.constant 0 : i32
      %dma_start3A_395 = tpu.memref_slice %arg6[%dma_start3A_391, %dma_start3A_393, %dma_start3A_394] : memref<5x128x128xf32, #tpu.memory_space<vmem>> -> memref<1x128x128xf32, #tpu.memory_space<vmem>>
      %dma_start3A_396 = tpu.memref_squeeze %dma_start3A_395 : memref<1x128x128xf32, #tpu.memory_space<vmem>> -> memref<128x128xf32, #tpu.memory_space<vmem>>
      %dma_start3A_397 = arith.constant 0 : i32
      %dma_start3A_398 = tpu.memref_slice %arg4[%mul3A_390, %dma_start3A_397] : memref<204800x128xf32, #tpu.memory_space<hbm>> -> memref<128x128xf32, #tpu.memory_space<hbm>>
      %dma_start3A_399 = tpu.memref_slice %arg8[%dma_start3A_392] : memref<5x!tpu.dma_semaphore, #tpu.memory_space<semaphore_mem>> -> memref<1x!tpu.dma_semaphore, #tpu.memory_space<semaphore_mem>>
      %dma_start3A_400 = tpu.memref_squeeze %dma_start3A_399 : memref<1x!tpu.dma_semaphore, #tpu.memory_space<semaphore_mem>> -> memref<!tpu.dma_semaphore, #tpu.memory_space<semaphore_mem>>
      %dma_start3A_401 = arith.constant 0 : i32
      %dma_start3A_402 = tpu.memref_slice %arg4[%mul3A_390, %dma_start3A_401] : memref<204800x128xf32, #tpu.memory_space<hbm>> -> memref<128x128xf32, #tpu.memory_space<hbm>>
      %dma_start3A_403 = arith.constant 0 : i32
      %dma_start3A_404 = arith.constant 0 : i32
      %dma_start3A_405 = tpu.memref_slice %arg6[%dma_start3A_391, %dma_start3A_403, %dma_start3A_404] : memref<5x128x128xf32, #tpu.memory_space<vmem>> -> memref<1x128x128xf32, #tpu.memory_space<vmem>>
      %dma_start3A_406 = tpu.memref_squeeze %dma_start3A_405 : memref<1x128x128xf32, #tpu.memory_space<vmem>> -> memref<128x128xf32, #tpu.memory_space<vmem>>
      tpu.enqueue_dma source(%dma_start3A_406 : memref<128x128xf32, #tpu.memory_space<vmem>>) target(%dma_start3A_402 : memref<128x128xf32, #tpu.memory_space<hbm>>) target_semaphore(%dma_start3A_400 : memref<!tpu.dma_semaphore, #tpu.memory_space<semaphore_mem>>)
    }
    %scan3A_36 = arith.constant 10 : i32
    %add3A_37 = arith.constant 45 : i32
    %add3A_38 = arith.addi %mul3A_2, %add3A_37 : i32
    %mul3A_39 = arith.constant 128 : i32
    %mul3A_40 = arith.muli %add3A_38, %mul3A_39 : i32
    %dma_wait3A = arith.constant 0 : i32
    %dma_wait3A_41 = arith.constant 0 : i32
    %dma_wait3A_42 = arith.constant 0 : i32
    %dma_wait3A_43 = arith.constant 0 : i32
    %dma_wait3A_44 = tpu.memref_slice %arg6[%dma_wait3A, %dma_wait3A_42, %dma_wait3A_43] : memref<5x128x128xf32, #tpu.memory_space<vmem>> -> memref<1x128x128xf32, #tpu.memory_space<vmem>>
    %dma_wait3A_45 = tpu.memref_squeeze %dma_wait3A_44 : memref<1x128x128xf32, #tpu.memory_space<vmem>> -> memref<128x128xf32, #tpu.memory_space<vmem>>
    %dma_wait3A_46 = arith.constant 0 : i32
    %dma_wait3A_47 = tpu.memref_slice %arg4[%mul3A_40, %dma_wait3A_46] : memref<204800x128xf32, #tpu.memory_space<hbm>> -> memref<128x128xf32, #tpu.memory_space<hbm>>
    %dma_wait3A_48 = tpu.memref_slice %arg8[%dma_wait3A_41] : memref<5x!tpu.dma_semaphore, #tpu.memory_space<semaphore_mem>> -> memref<1x!tpu.dma_semaphore, #tpu.memory_space<semaphore_mem>>
    %dma_wait3A_49 = tpu.memref_squeeze %dma_wait3A_48 : memref<1x!tpu.dma_semaphore, #tpu.memory_space<semaphore_mem>> -> memref<!tpu.dma_semaphore, #tpu.memory_space<semaphore_mem>>
    %dma_wait3A_50 = arith.constant 0 : i32
    %dma_wait3A_51 = tpu.memref_slice %arg4[%mul3A_40, %dma_wait3A_50] : memref<204800x128xf32, #tpu.memory_space<hbm>> -> memref<128x128xf32, #tpu.memory_space<hbm>>
    %dma_wait3A_52 = arith.constant 0 : i32
    %dma_wait3A_53 = arith.constant 0 : i32
    %dma_wait3A_54 = tpu.memref_slice %arg6[%dma_wait3A, %dma_wait3A_52, %dma_wait3A_53] : memref<5x128x128xf32, #tpu.memory_space<vmem>> -> memref<1x128x128xf32, #tpu.memory_space<vmem>>
    %dma_wait3A_55 = tpu.memref_squeeze %dma_wait3A_54 : memref<1x128x128xf32, #tpu.memory_space<vmem>> -> memref<128x128xf32, #tpu.memory_space<vmem>>
    tpu.wait_dma2 semaphore(%dma_wait3A_49 : memref<!tpu.dma_semaphore, #tpu.memory_space<semaphore_mem>>) src(%dma_wait3A_55 : memref<128x128xf32, #tpu.memory_space<vmem>>) dst(%dma_wait3A_51 : memref<128x128xf32, #tpu.memory_space<hbm>>)
    %add3A_56 = arith.constant 46 : i32
    %add3A_57 = arith.addi %mul3A_2, %add3A_56 : i32
    %mul3A_58 = arith.constant 128 : i32
    %mul3A_59 = arith.muli %add3A_57, %mul3A_58 : i32
    %dma_wait3A_60 = arith.constant 1 : i32
    %dma_wait3A_61 = arith.constant 1 : i32
    %dma_wait3A_62 = arith.constant 0 : i32
    %dma_wait3A_63 = arith.constant 0 : i32
    %dma_wait3A_64 = tpu.memref_slice %arg6[%dma_wait3A_60, %dma_wait3A_62, %dma_wait3A_63] : memref<5x128x128xf32, #tpu.memory_space<vmem>> -> memref<1x128x128xf32, #tpu.memory_space<vmem>>
    %dma_wait3A_65 = tpu.memref_squeeze %dma_wait3A_64 : memref<1x128x128xf32, #tpu.memory_space<vmem>> -> memref<128x128xf32, #tpu.memory_space<vmem>>
    %dma_wait3A_66 = arith.constant 0 : i32
    %dma_wait3A_67 = tpu.memref_slice %arg4[%mul3A_59, %dma_wait3A_66] : memref<204800x128xf32, #tpu.memory_space<hbm>> -> memref<128x128xf32, #tpu.memory_space<hbm>>
    %dma_wait3A_68 = tpu.memref_slice %arg8[%dma_wait3A_61] : memref<5x!tpu.dma_semaphore, #tpu.memory_space<semaphore_mem>> -> memref<1x!tpu.dma_semaphore, #tpu.memory_space<semaphore_mem>>
    %dma_wait3A_69 = tpu.memref_squeeze %dma_wait3A_68 : memref<1x!tpu.dma_semaphore, #tpu.memory_space<semaphore_mem>> -> memref<!tpu.dma_semaphore, #tpu.memory_space<semaphore_mem>>
    %dma_wait3A_70 = arith.constant 0 : i32
    %dma_wait3A_71 = tpu.memref_slice %arg4[%mul3A_59, %dma_wait3A_70] : memref<204800x128xf32, #tpu.memory_space<hbm>> -> memref<128x128xf32, #tpu.memory_space<hbm>>
    %dma_wait3A_72 = arith.constant 0 : i32
    %dma_wait3A_73 = arith.constant 0 : i32
    %dma_wait3A_74 = tpu.memref_slice %arg6[%dma_wait3A_60, %dma_wait3A_72, %dma_wait3A_73] : memref<5x128x128xf32, #tpu.memory_space<vmem>> -> memref<1x128x128xf32, #tpu.memory_space<vmem>>
    %dma_wait3A_75 = tpu.memref_squeeze %dma_wait3A_74 : memref<1x128x128xf32, #tpu.memory_space<vmem>> -> memref<128x128xf32, #tpu.memory_space<vmem>>
    tpu.wait_dma2 semaphore(%dma_wait3A_69 : memref<!tpu.dma_semaphore, #tpu.memory_space<semaphore_mem>>) src(%dma_wait3A_75 : memref<128x128xf32, #tpu.memory_space<vmem>>) dst(%dma_wait3A_71 : memref<128x128xf32, #tpu.memory_space<hbm>>)
    %add3A_76 = arith.constant 47 : i32
    %add3A_77 = arith.addi %mul3A_2, %add3A_76 : i32
    %mul3A_78 = arith.constant 128 : i32
    %mul3A_79 = arith.muli %add3A_77, %mul3A_78 : i32
    %dma_wait3A_80 = arith.constant 2 : i32
    %dma_wait3A_81 = arith.constant 2 : i32
    %dma_wait3A_82 = arith.constant 0 : i32
    %dma_wait3A_83 = arith.constant 0 : i32
    %dma_wait3A_84 = tpu.memref_slice %arg6[%dma_wait3A_80, %dma_wait3A_82, %dma_wait3A_83] : memref<5x128x128xf32, #tpu.memory_space<vmem>> -> memref<1x128x128xf32, #tpu.memory_space<vmem>>
    %dma_wait3A_85 = tpu.memref_squeeze %dma_wait3A_84 : memref<1x128x128xf32, #tpu.memory_space<vmem>> -> memref<128x128xf32, #tpu.memory_space<vmem>>
    %dma_wait3A_86 = arith.constant 0 : i32
    %dma_wait3A_87 = tpu.memref_slice %arg4[%mul3A_79, %dma_wait3A_86] : memref<204800x128xf32, #tpu.memory_space<hbm>> -> memref<128x128xf32, #tpu.memory_space<hbm>>
    %dma_wait3A_88 = tpu.memref_slice %arg8[%dma_wait3A_81] : memref<5x!tpu.dma_semaphore, #tpu.memory_space<semaphore_mem>> -> memref<1x!tpu.dma_semaphore, #tpu.memory_space<semaphore_mem>>
    %dma_wait3A_89 = tpu.memref_squeeze %dma_wait3A_88 : memref<1x!tpu.dma_semaphore, #tpu.memory_space<semaphore_mem>> -> memref<!tpu.dma_semaphore, #tpu.memory_space<semaphore_mem>>
    %dma_wait3A_90 = arith.constant 0 : i32
    %dma_wait3A_91 = tpu.memref_slice %arg4[%mul3A_79, %dma_wait3A_90] : memref<204800x128xf32, #tpu.memory_space<hbm>> -> memref<128x128xf32, #tpu.memory_space<hbm>>
    %dma_wait3A_92 = arith.constant 0 : i32
    %dma_wait3A_93 = arith.constant 0 : i32
    %dma_wait3A_94 = tpu.memref_slice %arg6[%dma_wait3A_80, %dma_wait3A_92, %dma_wait3A_93] : memref<5x128x128xf32, #tpu.memory_space<vmem>> -> memref<1x128x128xf32, #tpu.memory_space<vmem>>
    %dma_wait3A_95 = tpu.memref_squeeze %dma_wait3A_94 : memref<1x128x128xf32, #tpu.memory_space<vmem>> -> memref<128x128xf32, #tpu.memory_space<vmem>>
    tpu.wait_dma2 semaphore(%dma_wait3A_89 : memref<!tpu.dma_semaphore, #tpu.memory_space<semaphore_mem>>) src(%dma_wait3A_95 : memref<128x128xf32, #tpu.memory_space<vmem>>) dst(%dma_wait3A_91 : memref<128x128xf32, #tpu.memory_space<hbm>>)
    %add3A_96 = arith.constant 48 : i32
    %add3A_97 = arith.addi %mul3A_2, %add3A_96 : i32
    %mul3A_98 = arith.constant 128 : i32
    %mul3A_99 = arith.muli %add3A_97, %mul3A_98 : i32
    %dma_wait3A_100 = arith.constant 3 : i32
    %dma_wait3A_101 = arith.constant 3 : i32
    %dma_wait3A_102 = arith.constant 0 : i32
    %dma_wait3A_103 = arith.constant 0 : i32
    %dma_wait3A_104 = tpu.memref_slice %arg6[%dma_wait3A_100, %dma_wait3A_102, %dma_wait3A_103] : memref<5x128x128xf32, #tpu.memory_space<vmem>> -> memref<1x128x128xf32, #tpu.memory_space<vmem>>
    %dma_wait3A_105 = tpu.memref_squeeze %dma_wait3A_104 : memref<1x128x128xf32, #tpu.memory_space<vmem>> -> memref<128x128xf32, #tpu.memory_space<vmem>>
    %dma_wait3A_106 = arith.constant 0 : i32
    %dma_wait3A_107 = tpu.memref_slice %arg4[%mul3A_99, %dma_wait3A_106] : memref<204800x128xf32, #tpu.memory_space<hbm>> -> memref<128x128xf32, #tpu.memory_space<hbm>>
    %dma_wait3A_108 = tpu.memref_slice %arg8[%dma_wait3A_101] : memref<5x!tpu.dma_semaphore, #tpu.memory_space<semaphore_mem>> -> memref<1x!tpu.dma_semaphore, #tpu.memory_space<semaphore_mem>>
    %dma_wait3A_109 = tpu.memref_squeeze %dma_wait3A_108 : memref<1x!tpu.dma_semaphore, #tpu.memory_space<semaphore_mem>> -> memref<!tpu.dma_semaphore, #tpu.memory_space<semaphore_mem>>
    %dma_wait3A_110 = arith.constant 0 : i32
    %dma_wait3A_111 = tpu.memref_slice %arg4[%mul3A_99, %dma_wait3A_110] : memref<204800x128xf32, #tpu.memory_space<hbm>> -> memref<128x128xf32, #tpu.memory_space<hbm>>
    %dma_wait3A_112 = arith.constant 0 : i32
    %dma_wait3A_113 = arith.constant 0 : i32
    %dma_wait3A_114 = tpu.memref_slice %arg6[%dma_wait3A_100, %dma_wait3A_112, %dma_wait3A_113] : memref<5x128x128xf32, #tpu.memory_space<vmem>> -> memref<1x128x128xf32, #tpu.memory_space<vmem>>
    %dma_wait3A_115 = tpu.memref_squeeze %dma_wait3A_114 : memref<1x128x128xf32, #tpu.memory_space<vmem>> -> memref<128x128xf32, #tpu.memory_space<vmem>>
    tpu.wait_dma2 semaphore(%dma_wait3A_109 : memref<!tpu.dma_semaphore, #tpu.memory_space<semaphore_mem>>) src(%dma_wait3A_115 : memref<128x128xf32, #tpu.memory_space<vmem>>) dst(%dma_wait3A_111 : memref<128x128xf32, #tpu.memory_space<hbm>>)
    %add3A_116 = arith.constant 49 : i32
    %add3A_117 = arith.addi %mul3A_2, %add3A_116 : i32
    %mul3A_118 = arith.constant 128 : i32
    %mul3A_119 = arith.muli %add3A_117, %mul3A_118 : i32
    %dma_wait3A_120 = arith.constant 4 : i32
    %dma_wait3A_121 = arith.constant 4 : i32
    %dma_wait3A_122 = arith.constant 0 : i32
    %dma_wait3A_123 = arith.constant 0 : i32
    %dma_wait3A_124 = tpu.memref_slice %arg6[%dma_wait3A_120, %dma_wait3A_122, %dma_wait3A_123] : memref<5x128x128xf32, #tpu.memory_space<vmem>> -> memref<1x128x128xf32, #tpu.memory_space<vmem>>
    %dma_wait3A_125 = tpu.memref_squeeze %dma_wait3A_124 : memref<1x128x128xf32, #tpu.memory_space<vmem>> -> memref<128x128xf32, #tpu.memory_space<vmem>>
    %dma_wait3A_126 = arith.constant 0 : i32
    %dma_wait3A_127 = tpu.memref_slice %arg4[%mul3A_119, %dma_wait3A_126] : memref<204800x128xf32, #tpu.memory_space<hbm>> -> memref<128x128xf32, #tpu.memory_space<hbm>>
    %dma_wait3A_128 = tpu.memref_slice %arg8[%dma_wait3A_121] : memref<5x!tpu.dma_semaphore, #tpu.memory_space<semaphore_mem>> -> memref<1x!tpu.dma_semaphore, #tpu.memory_space<semaphore_mem>>
    %dma_wait3A_129 = tpu.memref_squeeze %dma_wait3A_128 : memref<1x!tpu.dma_semaphore, #tpu.memory_space<semaphore_mem>> -> memref<!tpu.dma_semaphore, #tpu.memory_space<semaphore_mem>>
    %dma_wait3A_130 = arith.constant 0 : i32
    %dma_wait3A_131 = tpu.memref_slice %arg4[%mul3A_119, %dma_wait3A_130] : memref<204800x128xf32, #tpu.memory_space<hbm>> -> memref<128x128xf32, #tpu.memory_space<hbm>>
    %dma_wait3A_132 = arith.constant 0 : i32
    %dma_wait3A_133 = arith.constant 0 : i32
    %dma_wait3A_134 = tpu.memref_slice %arg6[%dma_wait3A_120, %dma_wait3A_132, %dma_wait3A_133] : memref<5x128x128xf32, #tpu.memory_space<vmem>> -> memref<1x128x128xf32, #tpu.memory_space<vmem>>
    %dma_wait3A_135 = tpu.memref_squeeze %dma_wait3A_134 : memref<1x128x128xf32, #tpu.memory_space<vmem>> -> memref<128x128xf32, #tpu.memory_space<vmem>>
    tpu.wait_dma2 semaphore(%dma_wait3A_129 : memref<!tpu.dma_semaphore, #tpu.memory_space<semaphore_mem>>) src(%dma_wait3A_135 : memref<128x128xf32, #tpu.memory_space<vmem>>) dst(%dma_wait3A_131 : memref<128x128xf32, #tpu.memory_space<hbm>>)
    return
  }
}

</mosaic_0001>

<sc_bundles>
// kernel: kernel.3.cloned.1.call-start
scs
__scs_entry_jumppad:
0x0: {  	(pc) =	sbr.rel $0x88, $3  }
0x1: {  	(tag) =	ssettag $0x0;
	lr =	simm.s32 $0x1  }
0x2: {  	[smem:$0x3F9F] =	sst lr;
	_ =	strace $0xD0000000  }
0x3: {  	_ = 	snop  }
0x4: {  	_ = 	snop  }
0x5: {  	_ = 	snop  }
0x6: {  	_ = 	snop  }
0x7: {  	_ = 	snop  }
__scs_overlays_trampoline_lowered:
0x8: {  	[smem:$0x3FAE] =	sst s0  }
0x9: {  	[smem:$0x3FAF] =	sst s1  }
0xa: {  	[smem:$0x3FB0] =	sst s2  }
0xb: {  	[smem:$0x3FB1] =	sst s3  }
0xc: {  	[smem:$0x3FB2] =	sst s4  }
0xd: {  	[smem:$0x3FB3] =	sst s5  }
0xe: {  	[smem:$0x3FB4] =	sst s6  }
0xf: {  	[smem:$0x3FB5] =	sst s7  }
0x10: {  	[smem:$0x3FB6] =	sst s8  }
0x11: {  	[smem:$0x3FB7] =	sst s9;
	s0 =	simm.s32 @!p0 $0x0  }
0x12: {  	s1 =	sld [smem:$0x3F9D];
	s0 =	simm.s32 @p0 $0x1  }
0x13: {  	[smem:$0x3FB8] =	sst s0;
	s0 =	simm.s32 @!p1 $0x0  }
0x14: {  	s2 =	sld [smem:$0x3F9C];
	s0 =	simm.s32 @p1 $0x1  }
0x15: {  	[smem:$0x3FB9] =	sst s0;
	s0 =	simm.s32 @!p2 $0x0  }
0x16: {  	s3 =	sld [smem:$0x3FDB];
	s0 =	simm.s32 @p2 $0x1  }
0x17: {  	s4 =	simm.s32 $0x1BF5;
	[smem:$0x3FBB] =	sst s0  }
0x18: {  	s0 =	sld [smem:$0x3F9E];
	_ =	swait.ge [sflag:s4], $0x0  }
0x19: {  	s7 =	sld [smem:$0x3F9F]  }
0x1a: {  	s8 =	sadd.s32 $0xFFFFE003, lr  }
0x1b: {  	s9 =	sadd.s32 $0xFFFFFEF7, lr;
	s5 =	simm.s32 $0xFFFFFFFF;
	p2 =	slt.u32 s8, $0xFFFFF086  }
0x1c: {  	p1 =	slt.u32 s9, $0xF7A;
	s5 =	simm.s32 @!p2 $0x0  }
0x1d: {  	s5 =	simm.s32 @p1 $0x1;
	p0 =	seq.s32 s7, s2  }
0x1e: {  	s7 =	smul.u32 @!p0 $0xF7A, s2;
	p2 =	seq.s32 @!p0 s5, $0x0  }
0x1f: {  	s9 =	smul.u32 $0xF7A, s1;
	s8 =	simm.s32 @!p0 $0x1BF5;
	p2 =	por !p2, p0  }
0x20: {  	[sflag:s8] =	ssyncset.s32 @!p0 $0xFFFFF086;
	s6 =	sadd.s32 @!p0 s3, s7;
	s7 =	simm.s32 @!p0 $0x108  }
0x21: {  	s3 =	sadd.s32 s3, s9;
	s6 =	sadd.s32 @!p0 $0x88, s6;
	s7 =	simm.s32 @p2 $0x1082  }
0x22: {  	[simem:s7], [sflag:s8] =	dma.local @!p0 [hbm:s6], $0xF7A  }
0x23: {  	s9 =	sor.u32 $0xD0000000, s2;
	s6 =	simm.s32 $0x108;
	_ =	swait.ge @!p0 [sflag:s8], $0x0  }
0x24: {  	s3 =	sadd.s32 $0x88, s3;
	s6 =	simm.s32 @!p1 $0x1082;
	[sflag:s4] =	ssyncset.s32 $0xFFFFF086  }
0x25: {  	[simem:s6], [sflag:s4] =	dma.local [hbm:s3], $0xF7A  }
0x26: {  	[smem:$0x3F9F] =	sst s1;
	(tag) =	ssettag s2;
	_ =	strace s9  }
0x27: {  	s1 =	sld [smem:$0x3FAF]  }
0x28: {  	s2 =	sld [smem:$0x3FB0]  }
0x29: {  	s4 =	sld [smem:$0x3FB2]  }
0x2a: {  	p0 =	seq.s32 s5, $0x0;
	s5 =	sld [smem:$0x3FB3]  }
0x2b: {  	s6 =	sld [smem:$0x3FB4]  }
0x2c: {  	s7 =	sld [smem:$0x3FB5]  }
0x2d: {  	s3 =	simm.s32 $0x108;
	s8 =	sld [smem:$0x3FB6]  }
0x2e: {  	s3 =	simm.s32 @!p0 $0x1082;
	s9 =	sld [smem:$0x3FB7]  }
0x2f: {  	lr =	sadd.s32 s0, s3;
	s0 =	sld [smem:$0x3FAE]  }
0x30: {  	s3 =	sld [smem:$0x3FB1]  }
0x31: {  	[smem:$0x3FBA] =	sst s10  }
0x32: {  	s10 =	sld [smem:$0x3FB8];
	_ =	sdelay $0x3  }
0x33: {  	p0 =	seq.s32 s10, $0x1;
	s10 =	sld [smem:$0x3FBA];
	_ =	sdelay $0x3  }
0x34: {  	[smem:$0x3FBA] =	sst s10  }
0x35: {  	s10 =	sld [smem:$0x3FB9];
	_ =	sdelay $0x3  }
0x36: {  	p1 =	seq.s32 s10, $0x1;
	s10 =	sld [smem:$0x3FBA];
	_ =	sdelay $0x3  }
0x37: {  	[smem:$0x3FBA] =	sst s10  }
0x38: {  	s10 =	sld [smem:$0x3FBB]  }
0x39: {  	_ = 	snop;
	(pc) =	sbr.ind lr, $3  }
0x3a: {  	_ = 	snop  }
0x3b: {  	_ = 	snop  }
0x3c: {  	p2 =	seq.s32 s10, $0x1;
	s10 =	sld [smem:$0x3FBA]  }
0x3d: {  	_ =	shalt  }
0x3e: {  	_ =	shalt  }
0x3f: {  	_ =	shalt  }
0x40: {  	_ =	shalt  }
0x41: {  	_ =	shalt  }
0x42: {  	_ =	shalt  }
0x43: {  	_ =	shalt  }
0x44: {  	_ =	shalt  }
0x45: {  	_ =	shalt  }
0x46: {  	_ =	shalt  }
0x47: {  	_ =	shalt  }
0x48: {  	_ =	shalt  }
0x49: {  	_ =	shalt  }
0x4a: {  	_ =	shalt  }
0x4b: {  	_ =	shalt  }
0x4c: {  	_ =	shalt  }
0x4d: {  	_ =	shalt  }
0x4e: {  	_ =	shalt  }
0x4f: {  	_ =	shalt  }
0x50: {  	_ =	shalt  }
0x51: {  	_ =	shalt  }
0x52: {  	_ =	shalt  }
0x53: {  	_ =	shalt  }
0x54: {  	_ =	shalt  }
0x55: {  	_ =	shalt  }
0x56: {  	_ =	shalt  }
0x57: {  	_ =	shalt  }
0x58: {  	_ =	shalt  }
0x59: {  	_ =	shalt  }
0x5a: {  	_ =	shalt  }
0x5b: {  	_ =	shalt  }
0x5c: {  	_ =	shalt  }
0x5d: {  	_ =	shalt  }
0x5e: {  	_ =	shalt  }
0x5f: {  	_ =	shalt  }
0x60: {  	_ =	shalt  }
0x61: {  	_ =	shalt  }
0x62: {  	_ =	shalt  }
0x63: {  	_ =	shalt  }
0x64: {  	_ =	shalt  }
0x65: {  	_ =	shalt  }
0x66: {  	_ =	shalt  }
0x67: {  	_ =	shalt  }
0x68: {  	_ =	shalt  }
0x69: {  	_ =	shalt  }
0x6a: {  	_ =	shalt  }
0x6b: {  	_ =	shalt  }
0x6c: {  	_ =	shalt  }
0x6d: {  	_ =	shalt  }
0x6e: {  	_ =	shalt  }
0x6f: {  	_ =	shalt  }
0x70: {  	_ =	shalt  }
0x71: {  	_ =	shalt  }
0x72: {  	_ =	shalt  }
0x73: {  	_ =	shalt  }
0x74: {  	_ =	shalt  }
0x75: {  	_ =	shalt  }
0x76: {  	_ =	shalt  }
0x77: {  	_ =	shalt  }
0x78: {  	_ =	shalt  }
0x79: {  	_ =	shalt  }
0x7a: {  	_ =	shalt  }
0x7b: {  	_ =	shalt  }
0x7c: {  	_ =	shalt  }
0x7d: {  	_ =	shalt  }
0x7e: {  	_ =	shalt  }
0x7f: {  	_ =	shalt  }
0x80: {  	_ =	shalt  }
0x81: {  	_ =	shalt  }
0x82: {  	_ =	shalt  }
0x83: {  	_ =	shalt  }
0x84: {  	_ =	shalt  }
0x85: {  	_ =	shalt  }
0x86: {  	_ =	shalt  }
0x87: {  	_ =	shalt  }
.Lfunc_end0:
.L_simem_size_0:
called_computation_lowered:
.L_overlay_start_0:
0x88: {  	s2 =	sld [smem:$0x3FD9]  }
0x89: {  	s3 =	sld [smem:$0x3FFE];
	_ =	sdelay $0x1  }
0x8a: {  	s1 =	srdreg.scid  }
0x8b: {  	s0 =	sand.u32 $0x1, s1  }
0x8c: {  	s17 =	sshll.u32 s0, $0xA;
	s2 =	sadd.s32 s3, s2  }
0x8d: {  	s2 =	sadd.s32 s2, s17  }
0x8e: {  	[smem:$0x3FC6] =	sst s2  }
0x8f: {  	_ = 	snop  }
0x90: {  	s2 =	sld [smem:$0x3FC9]  }
0x91: {  	s18 =	sld [smem:$0x3FD0];
	(tm) =	ssettm $0x1  }
0x92: {  	s4 =	sld [smem:$0x3FFB];
	_ =	sdelay $0x3  }
0x93: {  	_ =	strace s4  }
0x94: {  	s4 =	sld [smem:$0x3FFC];
	_ =	sdelay $0x3  }
0x95: {  	_ =	strace s4  }
0x96: {  	s4 =	sld [smem:$0x3FFD];
	_ =	sdelay $0x3  }
0x97: {  	_ =	strace s4  }
0x98: {  	_ =	strace $0x8FFFFFFF  }
0x99: {  	s19 =	sld [smem:$0x3FDB];
	_ =	sdelay $0x1  }
0x9a: {  	s5 =	simm.s32 $_scs_section_size  }
0x9b: {  	s6 =	simm.s32 $_size__tile_overlayer_lowered;
	s7 =	simm.s32 $_tile_overlayer_lowered  }
0x9c: {  	s22 =	simm.s32 $0x1BFF;
	s21 =	sshll.u32 s7, $0x1;
	s4 =	sadd.s32 s5, s19  }
0x9d: {  	s8 =	simm.s32 $0x0;
	s20 =	sshll.u32 s6, $0x1;
	s6 =	sadd.s32 s21, s4  }
0x9e: {  	[timem:s8], [sflag:s22] =	dma.local [hbm:s6], s20  }
0x9f: {  	_ =	swait.ge [sflag:s22], s20  }
0xa0: {  	s5 =	ssub.s32 $0x0, s20;
	[sflag:s22] =	ssyncset.done $0x0  }
0xa1: {  	[sflag:s22] =	ssyncadd.s32 s5;
	_ =	sdelay $0x1  }
0xa2: {  	s23 =	simm.s32 $0x1B8B  }
0xa3: {  	_ =	swait.ge [sflag:s23], $0x1  }
0xa4: {  	[sflag:s23] =	ssyncset.done $0x0  }
0xa5: {  	s25 =	simm.s32 $0x1B8E;
	s24 =	sld [smem:$0x3FFE];
	[sflag:s23] =	ssyncadd.s32 $0xFFFFFFFF  }
0xa6: {  	s26 =	simm.s32 $execute0_lowered;
	[smem:$0x3FD2] =	sst s25  }
0xa7: {  	s6 =	sshll.u32 s26, $0x1;
	_ =	strace $0x80000046;
	[dreg:$0x1] =	wrdreg $0xFFFFFFFF  }
0xa8: {  	s28 =	simm.s32 $_size_execute0_lowered;
	s4 =	sadd.s32 s4, s6;
	[dreg:$0x0] =	wrdreg $0x0  }
0xa9: {  	s6 =	sshll.u32 s28, $0x1;
	[dreg:$0x2] =	wrdreg s4  }
0xaa: {  	[dreg:$0x3] =	wrdreg s6  }
0xab: {  	[dreg:$0x4] =	wrdreg $0xC0  }
0xac: {  	_ =	task [dreg:s8], $0x5FFFF  }
0xad: {  	[dreg:$0x1] =	wrdreg $0xFFFFFFFF  }
0xae: {  	[dreg:$0x0] =	wrdreg $0x60  }
0xaf: {  	[dreg:$0x2] =	wrdreg s2  }
0xb0: {  	[dreg:$0x3] =	wrdreg s24  }
0xb1: {  	[dreg:$0x4] =	wrdreg s18  }
0xb2: {  	[dreg:$0x5] =	wrdreg $0x9  }
0xb3: {  	_ =	task.clear_ibuf [dreg:s8], $0x6FFFF;
	_ =	strace $0x90000046  }
0xb4: {  	s29 =	simm.s32 $0x9;
	_ =	strace $0x80000048  }
0xb5: {  	_ =	swait.ge [sflag:s29], $0x1  }
0xb6: {  	[sflag:s29] =	ssyncadd.s32 $0xFFFFFFFF  }
0xb7: {  	_ =	strace $0x90000048  }
0xb8: {  	_ =	sfence  }
0xb9: {  	s30 =	sld [smem:$0x0];
	_ =	sdelay $0x2  }
0xba: {  	s31 =	sshll.u32 s1, $0xD;
	s1 =	sshrl.u32 s1, $0x2  }
0xbb: {  	s3 =	sand.u32 $0x4000, s31;
	s1 =	sadd.s32 s1, s30  }
0xbc: {  	s0 =	sor.u32 s3, s0;
	s1 =	sshll.u32 s1, $0x11  }
0xbd: {  	s0 =	sor.u32 s1, s0  }
0xbe: {  	s0 =	sadd.s32 $0x8F2B, s0  }
0xbf: {  	[sflag:s0] =	ssyncadd.remote.s32 $0x1  }
0xc0: {  	_ =	sfence.sel $0xFFFF  }
0xc1: {  	[dreg:$0x0] =	wrdreg $0xFFFFFFFF;
	(pc) =	sbr.abs _section_cstart, $3  }
0xc2: {  	[dreg:$0x1] =	wrdreg $0xFFFFFFFF  }
0xc3: {  	_ =	task.clear_ibuf [dreg:s8], $0x2FFFF;
	_ =	strace $0x9FFFFFFF  }
0xc4: {  	(tm) =	ssettm $0x7FFFFFFF  }
0xc5: {  	_ =	shalt  }
tec
execute0_lowered:
.L_overlay_start_1:
0x0: {  	(tag) =	ssettag $0x1  }
0x1: {  	s1 =	rddreg [dreg:$0x0]  }
0x2: {  	s0 =	srdreg.scid;
	s4 =	rddreg [dreg:$0x1]  }
0x3: {  	s9 =	stileid.u32;
	s5 =	rddreg [dreg:$0x2]  }
0x4: {  	s3 =	simm.s32 $0x0;
	s11 =	simm.s32 $0x80;
	s12 =	simm.s32 $0x1C00  }
0x5: {  	s13 =	simm.s32 $0x5C00;
	s14 =	simm.s32 $0x9C00;
	s15 =	simm.s32 $0x1  }
0x6: {  	s16 =	simm.s32 $0xDC00;
	s17 =	simm.s32 $0x2;
	s18 =	simm.s32 $0x11C00  }
0x7: {  	s19 =	simm.s32 $0x3;
	s20 =	simm.s32 $0x4;
	s6 =	smul.u32 $0x64, s9  }
0x8: {  	s0 =	sand.u32 $0x1, s0;
	s2 =	sshll.u32 s9, $0x1;
	s29 =	smul.u32 $0x32000, s9  }
0x9: {  	s21 =	simm.s32 $0x5;
	s2 =	sor.u32 s0, s2;
	s7 =	smul.u32 $0x32, s0  }
0xa: {  	s28 =	simm.s32 $0x0;
	[smem:$0x7FF] =	sst s3;
	s2 =	smul.u32 $0x380, s2  }
0xb: {  	_ =	strace $0x80000047;
	s8 =	ssub.s32 $0x2, s0;
	s0 =	smul.u32 $0x19000, s0  }
0xc: {  	s26 =	sshrl.u32 s8, $0x1;
	s31 =	sadd.s32 s29, s5;
	s2 =	sadd.s32 s2, s4  }
0xd: {  	s6 =	sadd.s32 s7, s6;
	s4 =	ssub.s32 s8, s26;
	s2 =	sadd.s32 $0x400, s2  }
0xe: {  	s6 =	sshll.u32 s6, $0xB;
	s4 =	smax.u32 s4, $0x1;
	[dreg:$0x4] =	wrdreg s2  }
0xf: {  	s9 =	sadd.s32 s0, s31;
	s30 =	sadd.s32 s6, s5;
	[dreg:$0x5] =	wrdreg s4  }
0x10: {  	s6 =	sadd.s32 $0x800, s30;
	s5 =	sadd.s32 $0x2000, s30;
	s8 =	sadd.s32 $0x1800, s30  }
.LBB2_1:
0x11: {  	s0 =	rddreg [dreg:$0x4];
	s23 =	simm.s32 $0xB  }
0x12: {  	[tilespmem:s3], [sflag:$0xB] =	stream.linear.gather [hbm4b:s0+s3], $0x1900, $0x38;
	[tilespmem:$0x15C00] =	vst v63  }
0x13: {  	_ =	swait.ge [sflag:s23], $0x1900  }
0x14: {  	[sflag:s23] =	ssyncset.done $0x0  }
0x15: {  	p0 =	por $0x1, $0x1;
	[sflag:s23] =	ssyncadd.s32 $0xFFFFE700  }
0x16: {  	[tilespmem:s12], [sflag:$0x1] =	stream.indirect.gather [hbm4b:s1+s11], $0x80, s3, s11, $0xb8;
	[tilespmem:$0x15C00] =	vst v63  }
0x17: {  	s0 =	simm.s32 @!p0 $0x8  }
0x18: {  	[tilespmem:s13], [sflag:$0x2] =	stream.indirect.gather [hbm4b:s1+s11], $0x80, s11, s11, $0xb8;
	[tilespmem:$0x15C00] =	vst v63  }
0x19: {  	_ =	swait.ge @!p0 [sflag:s0], $0x4000  }
0x1a: {  	[sflag:s0] =	ssyncset.done @!p0 $0x0  }
0x1b: {  	s2 =	simm.s32 $0x100;
	[sflag:s0] =	ssyncadd.s32 @!p0 $0xFFFFC000  }
0x1c: {  	[tilespmem:s14], [sflag:$0x3] =	stream.indirect.gather [hbm4b:s1+s11], $0x80, s2, s11, $0xb8;
	[tilespmem:$0x15C00] =	vst v63  }
0x1d: {  	_ =	swait.ge [sflag:s15], $0x4000  }
0x1e: {  	[sflag:s15] =	ssyncset.done $0x0  }
0x1f: {  	s0 =	simm.s32 @!p0 $0x9;
	[sflag:s15] =	ssyncadd.s32 $0xFFFFC000  }
0x20: {  	[hbm4b:s9+s3] =	stream.linear.scatter [tilespmem:s12], [sflag:$0x6], $0x4000, $0x38;
	[tilespmem:$0x15C00] =	vst v63  }
0x21: {  	_ =	swait.ge @!p0 [sflag:s0], $0x4000  }
0x22: {  	[sflag:s0] =	ssyncset.done @!p0 $0x0  }
0x23: {  	s24 =	simm.s32 $0x180;
	[sflag:s0] =	ssyncadd.s32 @!p0 $0xFFFFC000  }
0x24: {  	[tilespmem:s16], [sflag:$0x4] =	stream.indirect.gather [hbm4b:s1+s11], $0x80, s24, s11, $0xb8;
	[tilespmem:$0x15C00] =	vst v63  }
0x25: {  	_ =	swait.ge [sflag:s17], $0x4000  }
0x26: {  	[sflag:s17] =	ssyncset.done $0x0  }
0x27: {  	s0 =	simm.s32 @!p0 $0xA;
	[sflag:s17] =	ssyncadd.s32 $0xFFFFC000  }
0x28: {  	[hbm4b:s6+s3] =	stream.linear.scatter [tilespmem:s13], [sflag:$0x7], $0x4000, $0x38;
	[tilespmem:$0x15C00] =	vst v63  }
0x29: {  	_ =	swait.ge @!p0 [sflag:s0], $0x4000  }
0x2a: {  	[sflag:s0] =	ssyncset.done @!p0 $0x0  }
0x2b: {  	s25 =	simm.s32 $0x200;
	[sflag:s0] =	ssyncadd.s32 @!p0 $0xFFFFC000  }
0x2c: {  	[tilespmem:s18], [sflag:$0x5] =	stream.indirect.gather [hbm4b:s1+s11], $0x80, s25, s11, $0xb8;
	[tilespmem:$0x15C00] =	vst v63  }
0x2d: {  	_ =	swait.ge [sflag:s19], $0x4000  }
0x2e: {  	p0 =	por $0x0, $0x0;
	[sflag:s19] =	ssyncset.done $0x0  }
0x2f: {  	s26 =	sadd.s32 $0xFFFFF800, s8;
	s2 =	simm.s32 @!p0 $0x6;
	[sflag:s19] =	ssyncadd.s32 $0xFFFFC000  }
0x30: {  	[hbm4b:s26+s3] =	stream.linear.scatter [tilespmem:s14], [sflag:$0x8], $0x4000, $0x38;
	[tilespmem:$0x15C00] =	vst v63  }
0x31: {  	_ =	swait.ge @!p0 [sflag:s2], $0x4000  }
0x32: {  	s0 =	simm.s32 @!p0 $0x280;
	[sflag:s2] =	ssyncset.done @!p0 $0x0  }
0x33: {  	s7 =	simm.s32 @!p0 $0x80;
	s4 =	simm.s32 @!p0 $0x1C00;
	[sflag:s2] =	ssyncadd.s32 @!p0 $0xFFFFC000  }
0x34: {  	[tilespmem:s4], [sflag:$0x1] =	stream.indirect.gather @!p0 [hbm4b:s1+s7], $0x80, s0, s7, $0xb8;
	[tilespmem:$0x15C00] =	vst v63  }
0x35: {  	_ =	swait.ge [sflag:s20], $0x4000  }
0x36: {  	s31 =	simm.s32 $0xA00;
	[sflag:s20] =	ssyncset.done $0x0  }
0x37: {  	s29 =	sadd.s32 $0x2800, s5;
	s0 =	simm.s32 @!p0 $0x7;
	[sflag:s20] =	ssyncadd.s32 $0xFFFFC000  }
0x38: {  	[hbm4b:s8+s3] =	stream.linear.scatter [tilespmem:s16], [sflag:$0x9], $0x4000, $0x38;
	[tilespmem:$0x15C00] =	vst v63  }
0x39: {  	s30 =	sadd.s32 $0x2800, s8;
	p1 =	por $0x0, $0x0;
	_ =	swait.ge @!p0 [sflag:s0], $0x4000  }
0x3a: {  	s10 =	simm.s32 @!p0 $0x5C00;
	s2 =	simm.s32 @!p0 $0x300;
	[sflag:s0] =	ssyncset.done @!p0 $0x0  }
0x3b: {  	s4 =	simm.s32 $0x1400;
	[sflag:s0] =	ssyncadd.s32 @!p0 $0xFFFFC000;
	s0 =	sadd.s32 $0x2800, s9  }
0x3c: {  	[tilespmem:s10], [sflag:$0x2] =	stream.indirect.gather @!p0 [hbm4b:s1+s7], $0x80, s2, s7, $0xb8;
	[tilespmem:$0x15C00] =	vst v63  }
0x3d: {  	s2 =	sadd.s32 $0x2800, s6;
	s7 =	smov.u32 s5;
	_ =	swait.ge [sflag:s21], $0x4000  }
.LBB2_2:
0x3e: {  	s22 =	simm.s32 @!p1 $0x8  }
0x3f: {  	[sflag:s21] =	ssyncset.done $0x0;
	s10 =	smov.u32 s4;
	s4 =	sadd.s32 $0xA00, s4  }
0x40: {  	p0 =	sne.s32 s4, $0x6400;
	[sflag:s21] =	ssyncadd.s32 $0xFFFFC000  }
0x41: {  	[hbm4b:s7+s3] =	stream.linear.scatter [tilespmem:s18], [sflag:$0xA], $0x4000, $0x38;
	[tilespmem:$0x15C00] =	vst v63  }
0x42: {  	s23 =	sshra.s32 s31, $0x2;
	s7 =	smov.u32 s29;
	_ =	swait.ge @!p1 [sflag:s22], $0x4000  }
0x43: {  	s24 =	sadd.s32 $0x100, s23;
	[sflag:s22] =	ssyncset.done @!p1 $0x0  }
0x44: {  	[sflag:s22] =	ssyncadd.s32 @!p1 $0xFFFFC000  }
0x45: {  	[tilespmem:s14], [sflag:$0x3] =	stream.indirect.gather [hbm4b:s1+s11], $0x80, s24, s11, $0xb8;
	[tilespmem:$0x15C00] =	vst v63  }
0x46: {  	_ =	swait.ge [sflag:s15], $0x4000  }
0x47: {  	s22 =	simm.s32 @!p1 $0x9;
	[sflag:s15] =	ssyncset.done $0x0  }
0x48: {  	[sflag:s15] =	ssyncadd.s32 $0xFFFFC000  }
0x49: {  	[hbm4b:s0+s3] =	stream.linear.scatter [tilespmem:s12], [sflag:$0x6], $0x4000, $0x38;
	[tilespmem:$0x15C00] =	vst v63  }
0x4a: {  	_ =	swait.ge @!p1 [sflag:s22], $0x4000  }
0x4b: {  	s24 =	sadd.s32 $0x180, s23;
	[sflag:s22] =	ssyncset.done @!p1 $0x0  }
0x4c: {  	[sflag:s22] =	ssyncadd.s32 @!p1 $0xFFFFC000  }
0x4d: {  	[tilespmem:s16], [sflag:$0x4] =	stream.indirect.gather [hbm4b:s1+s11], $0x80, s24, s11, $0xb8;
	[tilespmem:$0x15C00] =	vst v63  }
0x4e: {  	_ =	swait.ge [sflag:s17], $0x4000  }
0x4f: {  	s22 =	simm.s32 @!p1 $0xA;
	[sflag:s17] =	ssyncset.done $0x0  }
0x50: {  	[sflag:s17] =	ssyncadd.s32 $0xFFFFC000  }
0x51: {  	[hbm4b:s2+s3] =	stream.linear.scatter [tilespmem:s13], [sflag:$0x7], $0x4000, $0x38;
	[tilespmem:$0x15C00] =	vst v63  }
0x52: {  	_ =	swait.ge @!p1 [sflag:s22], $0x4000  }
0x53: {  	s23 =	sadd.s32 $0x200, s23;
	[sflag:s22] =	ssyncset.done @!p1 $0x0  }
0x54: {  	[sflag:s22] =	ssyncadd.s32 @!p1 $0xFFFFC000  }
0x55: {  	[tilespmem:s18], [sflag:$0x5] =	stream.indirect.gather [hbm4b:s1+s11], $0x80, s23, s11, $0xb8;
	[tilespmem:$0x15C00] =	vst v63  }
0x56: {  	_ =	swait.ge [sflag:s19], $0x4000  }
0x57: {  	s22 =	sadd.s32 $0xFFFFF800, s30;
	p1 =	seq.s32 s31, $0x5A00;
	[sflag:s19] =	ssyncset.done $0x0  }
0x58: {  	s23 =	simm.s32 @!p1 $0x6;
	s24 =	sshra.s32 @!p1 s31, $0x2;
	[sflag:s19] =	ssyncadd.s32 $0xFFFFC000  }
0x59: {  	[hbm4b:s22+s3] =	stream.linear.scatter [tilespmem:s14], [sflag:$0x8], $0x4000, $0x38;
	[tilespmem:$0x15C00] =	vst v63  }
0x5a: {  	s22 =	sadd.s32 @!p1 $0x280, s24;
	s24 =	sadd.s32 @!p1 $0x300, s24;
	_ =	swait.ge @!p1 [sflag:s23], $0x4000  }
0x5b: {  	s25 =	simm.s32 @!p1 $0x80;
	s26 =	simm.s32 @!p1 $0x1C00;
	[sflag:s23] =	ssyncset.done @!p1 $0x0  }
0x5c: {  	s31 =	smov.u32 s10;
	[sflag:s23] =	ssyncadd.s32 @!p1 $0xFFFFC000  }
0x5d: {  	[tilespmem:s26], [sflag:$0x1] =	stream.indirect.gather @!p1 [hbm4b:s1+s25], $0x80, s22, s25, $0xb8;
	[tilespmem:$0x15C00] =	vst v63  }
0x5e: {  	_ =	swait.ge [sflag:s20], $0x4000  }
0x5f: {  	[sflag:s20] =	ssyncset.done $0x0  }
0x60: {  	s10 =	simm.s32 @!p1 $0x7;
	[sflag:s20] =	ssyncadd.s32 $0xFFFFC000  }
0x61: {  	[hbm4b:s30+s3] =	stream.linear.scatter [tilespmem:s16], [sflag:$0x9], $0x4000, $0x38;
	[tilespmem:$0x15C00] =	vst v63  }
.Ltmp0:
0x62: {  	_ =	swait.ge @!p1 [sflag:s10], $0x4000;
	(pc) =	sbr.rel @p0 .LBB2_2-.Ltmp0, $4  }
0x63: {  	s0 =	sadd.s32 $0x2800, s0;
	s22 =	simm.s32 @!p1 $0x5C00;
	[sflag:s10] =	ssyncset.done @!p1 $0x0  }
0x64: {  	s29 =	sadd.s32 $0x2800, s29;
	s30 =	sadd.s32 $0x2800, s30;
	[sflag:s10] =	ssyncadd.s32 @!p1 $0xFFFFC000  }
0x65: {  	[tilespmem:s22], [sflag:$0x2] =	stream.indirect.gather @!p1 [hbm4b:s1+s25], $0x80, s24, s25, $0xb8;
	[tilespmem:$0x15C00] =	vst v63  }
0x66: {  	s2 =	sadd.s32 $0x2800, s2;
	p1 =	seq.s32 s31, $0x0;
	_ =	swait.ge [sflag:s21], $0x4000  }
0x67: {  	[sflag:s21] =	ssyncset.done $0x0  }
0x68: {  	s4 =	simm.s32 @!p1 $0x8;
	[sflag:s21] =	ssyncadd.s32 $0xFFFFC000  }
0x69: {  	[hbm4b:s7+s3] =	stream.linear.scatter [tilespmem:s18], [sflag:$0xA], $0x4000, $0x38;
	[tilespmem:$0x15C00] =	vst v63  }
0x6a: {  	_ =	swait.ge @!p1 [sflag:s4], $0x4000  }
0x6b: {  	s25 =	sshra.s32 s31, $0x2;
	[sflag:s4] =	ssyncset.done @!p1 $0x0  }
0x6c: {  	s26 =	sadd.s32 $0x100, s25;
	[sflag:s4] =	ssyncadd.s32 @!p1 $0xFFFFC000  }
0x6d: {  	[tilespmem:s14], [sflag:$0x3] =	stream.indirect.gather [hbm4b:s1+s11], $0x80, s26, s11, $0xb8;
	[tilespmem:$0x15C00] =	vst v63  }
0x6e: {  	_ =	swait.ge [sflag:s15], $0x4000  }
0x6f: {  	[sflag:s15] =	ssyncset.done $0x0  }
0x70: {  	[sflag:s15] =	ssyncadd.s32 $0xFFFFC000  }
0x71: {  	[hbm4b:s0+s3] =	stream.linear.scatter [tilespmem:s12], [sflag:$0x6], $0x4000, $0x38;
	[tilespmem:$0x15C00] =	vst v63  }
0x72: {  	s0 =	simm.s32 @!p1 $0x9  }
0x73: {  	_ =	swait.ge @!p1 [sflag:s0], $0x4000  }
0x74: {  	[sflag:s0] =	ssyncset.done @!p1 $0x0  }
0x75: {  	s10 =	sadd.s32 $0x180, s25;
	[sflag:s0] =	ssyncadd.s32 @!p1 $0xFFFFC000  }
0x76: {  	[tilespmem:s16], [sflag:$0x4] =	stream.indirect.gather [hbm4b:s1+s11], $0x80, s10, s11, $0xb8;
	[tilespmem:$0x15C00] =	vst v63  }
0x77: {  	_ =	swait.ge [sflag:s17], $0x4000  }
0x78: {  	[sflag:s17] =	ssyncset.done $0x0  }
0x79: {  	s0 =	simm.s32 @!p1 $0xA;
	[sflag:s17] =	ssyncadd.s32 $0xFFFFC000  }
0x7a: {  	[hbm4b:s2+s3] =	stream.linear.scatter [tilespmem:s13], [sflag:$0x7], $0x4000, $0x38;
	[tilespmem:$0x15C00] =	vst v63  }
0x7b: {  	_ =	swait.ge @!p1 [sflag:s0], $0x4000  }
0x7c: {  	[sflag:s0] =	ssyncset.done @!p1 $0x0  }
0x7d: {  	s22 =	sadd.s32 $0x200, s25;
	[sflag:s0] =	ssyncadd.s32 @!p1 $0xFFFFC000  }
0x7e: {  	[tilespmem:s18], [sflag:$0x5] =	stream.indirect.gather [hbm4b:s1+s11], $0x80, s22, s11, $0xb8;
	[tilespmem:$0x15C00] =	vst v63  }
0x7f: {  	_ =	swait.ge [sflag:s19], $0x4000  }
0x80: {  	p0 =	seq.s32 s31, $0x5A00;
	[sflag:s19] =	ssyncset.done $0x0  }
0x81: {  	s23 =	sadd.s32 $0xFFFFF800, s30;
	s2 =	simm.s32 @!p0 $0x6;
	[sflag:s19] =	ssyncadd.s32 $0xFFFFC000  }
0x82: {  	[hbm4b:s23+s3] =	stream.linear.scatter [tilespmem:s14], [sflag:$0x8], $0x4000, $0x38;
	[tilespmem:$0x15C00] =	vst v63  }
0x83: {  	_ =	swait.ge @!p0 [sflag:s2], $0x4000  }
0x84: {  	s7 =	simm.s32 @!p0 $0x80;
	s0 =	sshra.s32 @!p0 s31, $0x2;
	[sflag:s2] =	ssyncset.done @!p0 $0x0  }
0x85: {  	s4 =	sadd.s32 @!p0 $0x280, s0;
	[sflag:s2] =	ssyncadd.s32 @!p0 $0xFFFFC000;
	s2 =	simm.s32 @!p0 $0x1C00  }
0x86: {  	[tilespmem:s2], [sflag:$0x1] =	stream.indirect.gather @!p0 [hbm4b:s1+s7], $0x80, s4, s7, $0xb8;
	[tilespmem:$0x15C00] =	vst v63  }
0x87: {  	_ =	swait.ge [sflag:s20], $0x4000  }
0x88: {  	[sflag:s20] =	ssyncset.done $0x0  }
0x89: {  	s2 =	simm.s32 @!p0 $0x7;
	[sflag:s20] =	ssyncadd.s32 $0xFFFFC000  }
0x8a: {  	[hbm4b:s30+s3] =	stream.linear.scatter [tilespmem:s16], [sflag:$0x9], $0x4000, $0x38;
	[tilespmem:$0x15C00] =	vst v63  }
0x8b: {  	_ =	swait.ge @!p0 [sflag:s2], $0x4000  }
0x8c: {  	[sflag:s2] =	ssyncset.done @!p0 $0x0  }
0x8d: {  	s0 =	sadd.s32 @!p0 $0x300, s0;
	[sflag:s2] =	ssyncadd.s32 @!p0 $0xFFFFC000;
	s2 =	simm.s32 @!p0 $0x5C00  }
0x8e: {  	[tilespmem:s2], [sflag:$0x2] =	stream.indirect.gather @!p0 [hbm4b:s1+s7], $0x80, s0, s7, $0xb8;
	[tilespmem:$0x15C00] =	vst v63  }
0x8f: {  	_ =	swait.ge [sflag:s21], $0x4000  }
0x90: {  	[sflag:s21] =	ssyncset.done $0x0  }
0x91: {  	s24 =	simm.s32 $0x6;
	[sflag:s21] =	ssyncadd.s32 $0xFFFFC000  }
0x92: {  	[hbm4b:s29+s3] =	stream.linear.scatter [tilespmem:s18], [sflag:$0xA], $0x4000, $0x38;
	[tilespmem:$0x15C00] =	vst v63  }
0x93: {  	_ =	swait.ge [sflag:s24], $0x4000  }
0x94: {  	[sflag:s24] =	ssyncset.done $0x0  }
0x95: {  	s25 =	simm.s32 $0x7;
	[sflag:s24] =	ssyncadd.s32 $0xFFFFC000  }
0x96: {  	_ =	swait.ge [sflag:s25], $0x4000  }
0x97: {  	[sflag:s25] =	ssyncset.done $0x0  }
0x98: {  	s26 =	simm.s32 $0x8;
	[sflag:s25] =	ssyncadd.s32 $0xFFFFC000  }
0x99: {  	_ =	swait.ge [sflag:s26], $0x4000  }
0x9a: {  	[sflag:s26] =	ssyncset.done $0x0  }
0x9b: {  	s29 =	simm.s32 $0x9;
	[sflag:s26] =	ssyncadd.s32 $0xFFFFC000  }
0x9c: {  	_ =	swait.ge [sflag:s29], $0x4000  }
0x9d: {  	[sflag:s29] =	ssyncset.done $0x0  }
0x9e: {  	s30 =	simm.s32 $0xA;
	[sflag:s29] =	ssyncadd.s32 $0xFFFFC000  }
0x9f: {  	_ =	swait.ge [sflag:s30], $0x4000  }
0xa0: {  	s28 =	sadd.s32 $0x1, s28;
	s31 =	rddreg [dreg:$0x5]  }
0xa1: {  	p0 =	sne.s32 s28, s31  }
.Ltmp1:
0xa2: {  	_ = 	snop;
	(pc) =	sbr.rel @p0 .LBB2_1-.Ltmp1, $3  }
0xa3: {  	_ =	sdelay $0x1  }
0xa4: {  	[sflag:s30] =	ssyncset.done $0x0  }
0xa5: {  	[sflag:s30] =	ssyncadd.s32 $0xFFFFC000  }
0xa6: {  	_ =	sfence.sel $0x180000  }
0xa7: {  	[bflag:$0x0] =	sbarrier.arrive $0xFFFF  }
0xa8: {  	_ =	strace $0x90000047  }
0xa9: {  	s0 =	stileid.u32;
	[bflag:$0x2] =	sbarrier.arrive $0xFFFF  }
0xaa: {  	p0 =	sne.s32 s0, $0x0;
	s0 =	rddreg [dreg:$0x3]  }
0xab: {  	s0 =	sadd.s32 @!p0 $0x100000, s0  }
0xac: {  	[sflag:s0] =	ssyncadd.tile.s32 @!p0 $0x1;
	_ =	shalt  }
.Lfunc_end2:
_tile_overlayer_lowered:
.L_overlay_start_2:
0xad: {  	(tag) =	ssettag $0x2  }
0xae: {  	s0 =	rddreg [dreg:$0x0];
	s2 =	stileid.u32  }
0xaf: {  	s1 =	rddreg [dreg:$0x1];
	p0 =	sne.s32 s2, $0x0  }
0xb0: {  	s3 =	rddreg [dreg:$0x2];
	[bflag:$0x3] =	sbarrier.arrive $0xFFFF;
	s2 =	simm.s32 @!p0 $0x1C0B  }
0xb1: {  	[timem:s3], [sflag:s2] =	dma.local @!p0 [hbm:s0], s1  }
0xb2: {  	s0 =	simm.s32 @!p0 $0xB  }
0xb3: {  	_ =	swait.ge @!p0 [sflag:s0], s1  }
0xb4: {  	s1 =	ssub.s32 @!p0 $0x0, s1;
	[sflag:s0] =	ssyncset.done @!p0 $0x0  }
0xb5: {  	[sflag:s0] =	ssyncadd.s32 @!p0 s1  }
0xb6: {  	[bflag:$0x3] =	sbarrier.arrive $0xFFFF  }
0xb7: {  	_ =	shalt  }

</sc_bundles>
